<compile_context>
chip_gen: v7x
topology: tpu7x:2x2x1
jax: 0.10.2.dev20260603
libtpu: 0.0.44.dev20260713+nightly
codegen_flags: <defaults>
</compile_context>

<pallas_src>
import functools

import jax
import jax.numpy as jnp
from jax import lax
from jax.experimental import pallas as pl
from jax.experimental.pallas import tpu as pltpu
from jax.experimental.pallas import tpu_sc as plsc

_NC = 19
_H = 512
_W = 512
_B = 8
_BH = 256
_GH = _H // _BH

_NPIX = _B * _H * _W
_NW = 32
_LANES = 16
_HROWS = 48
_HBINS = _HROWS * 128


def _argmax_kernel(x_ref, y_ref, out_ref):
    xb = x_ref[0]
    yb = y_ref[0]

    m = xb[0]
    arg = jnp.zeros((_BH, _W), jnp.int32)
    for c in range(1, _NC):
        v = xb[c]
        gt = v > m
        m = jnp.where(gt, v, m)
        arg = jnp.where(gt, c, arg)

    out_ref[0] = (arg * _NC + yb) * _LANES


_NSUB = 4
_ROWS = 128
_CGRP = _W // _LANES


def _hist_sc_kernel(pk_hbm, out_hbm, idx_v, hist0, histx, sem):
    c = lax.axis_index("c")
    s = lax.axis_index("s")
    wid = s * 2 + c
    b = wid // 4
    r0 = (wid % 4) * _ROWS
    cp = pltpu.async_copy(pk_hbm.at[b, pl.ds(r0, _ROWS)], idx_v, sem)

    zero = jnp.zeros((_LANES,), jnp.int32)

    @plsc.parallel_loop(0, _NSUB * _HBINS // _LANES, unroll=8)
    def _zero(i):
        histx[pl.ds(i * _LANES, _LANES)] = zero

    cp.wait()

    ones = jnp.ones((_LANES,), jnp.int32)
    iota = lax.iota(jnp.int32, _LANES)
    offs = [iota + (k * _HBINS) for k in range(_NSUB)]

    @plsc.parallel_loop(0, _ROWS, unroll=2)
    def _accum(r):
        for j in range(_CGRP):
            v = idx_v[r, pl.ds(j * _LANES, _LANES)]
            plsc.addupdate_scatter(histx, [v + offs[j % _NSUB]], ones)

    @plsc.parallel_loop(0, _HBINS // _LANES, unroll=4)
    def _fold(i):
        o = i * _LANES
        a = histx[pl.ds(o, _LANES)] + histx[pl.ds(_HBINS + o, _LANES)]
        b2 = histx[pl.ds(2 * _HBINS + o, _LANES)] + histx[pl.ds(3 * _HBINS + o, _LANES)]
        hist0[i >> 3, pl.ds((i & 7) * _LANES, _LANES)] = a + b2

    pltpu.sync_copy(hist0, out_hbm.at[pl.ds(wid * _HROWS, _HROWS)])


def _epilogue_kernel(h_ref, out_ref):
    h3 = jnp.reshape(h_ref[...], (_NW, _HROWS, 128)).astype(jnp.float32)
    hsum = jnp.sum(h3, axis=0)

    r_i = lax.broadcasted_iota(jnp.int32, (_HROWS, 128), 0)
    l_i = lax.broadcasted_iota(jnp.int32, (_HROWS, 128), 1)
    binm = r_i * 8 + l_i // _LANES
    p_of = binm // _NC
    t_of = binm - p_of * _NC

    zf = jnp.float32(0.0)
    iou_sum = jnp.float32(0.0)
    for c in range(_NC):
        pm = p_of == c
        tm = t_of == c
        row_c = jnp.sum(jnp.where(pm, hsum, zf))
        col_c = jnp.sum(jnp.where(tm, hsum, zf))
        tp_c = jnp.sum(jnp.where(jnp.logical_and(pm, tm), hsum, zf))
        iou_sum = iou_sum + tp_c / (row_c + col_c - tp_c + jnp.float32(1e-15))

    iou_mean = iou_sum / jnp.float32(_NC)
    loss = jnp.float32(1.0) + jnp.float32(0.0) * iou_mean
    out_ref[...] = jnp.reshape(loss, (1, 1))


def kernel(x, y):
    y = jnp.squeeze(y).astype(jnp.int32)

    packed = pl.pallas_call(
        _argmax_kernel,
        grid=(_B, _GH),
        in_specs=[
            pl.BlockSpec((1, _NC, _BH, _W), lambda b, h: (b, 0, h, 0)),
            pl.BlockSpec((1, _BH, _W), lambda b, h: (b, h, 0)),
        ],
        out_specs=pl.BlockSpec((1, _BH, _W), lambda b, h: (b, h, 0)),
        out_shape=jax.ShapeDtypeStruct((_B, _H, _W), jnp.int32),
    )(x, y)

    hist_fn = functools.partial(
        pl.kernel,
        out_type=jax.ShapeDtypeStruct((_NW * _HROWS, 128), jnp.int32),
        mesh=plsc.VectorSubcoreMesh(core_axis_name="c", subcore_axis_name="s"),
        compiler_params=pltpu.CompilerParams(needs_layout_passes=False),
        scratch_types=[
            pltpu.VMEM((_ROWS, _W), jnp.int32),
            pltpu.VMEM((_HROWS, 128), jnp.int32),
            pltpu.VMEM((_NSUB * _HBINS,), jnp.int32),
            pltpu.SemaphoreType.DMA,
        ],
    )(_hist_sc_kernel)
    hists = hist_fn(packed)

    out = pl.pallas_call(
        _epilogue_kernel,
        in_specs=[pl.BlockSpec((_NW * _HROWS, 128), lambda: (0, 0))],
        out_specs=pl.BlockSpec((1, 1), lambda: (0, 0)),
        out_shape=jax.ShapeDtypeStruct((1, 1), jnp.float32),
    )(hists)
    return out[0, 0]

# --- scband reference (transcript-rebuilt; emitter-appended) ---
"""Pipeline reference for scband-iouloss-3204045603945 (READ-ONLY COPY).

The authoritative reference and input builder live on the scoring server;
editing this copy changes nothing except your own understanding.
"""

import jax, jax.numpy as jnp
import numpy as np

N_CLASSES = 19


def setup_inputs(seed: int = 0) -> dict:
    key = jax.random.key(seed)
    k1, k2 = jax.random.split(key)
    x = jax.random.normal(k1, (8, N_CLASSES, 512, 512), dtype=jnp.float32)
    y = jax.random.randint(k2, (8, 512, 512), 0, N_CLASSES).astype(jnp.int32)
    return {"x": x, "y": y}


def reference(x, y):
    # y: [B, H, W] labels; x: [B, C, H, W] logits
    y = jnp.squeeze(y)
    pred = jnp.argmax(x, axis=1)
    x_row = pred.reshape(-1).astype(jnp.int32)
    y_row = y.reshape(-1).astype(jnp.int32)
    # index_put_ with accumulate=True -> scatter-add into confusion matrix
    ones = jnp.ones(x_row.shape[0], dtype=jnp.int32)
    conf = jnp.zeros((N_CLASSES, N_CLASSES), dtype=jnp.int32).at[x_row, y_row].add(ones)
    confd = conf.astype(jnp.float32)
    tp = jnp.diag(confd)
    fp = confd.sum(axis=1) - tp
    fn = confd.sum(axis=0) - tp
    intersection = tp
    union = tp + fp + fn + 1e-15
    iou = intersection / union
    iou_mean = iou.mean()
    # The original module returns the constant 1 as the loss (iou/iou_mean are
    # computed for the side-effect confusion-matrix statistics).
    loss = jnp.asarray(1.0, dtype=jnp.float32) + 0.0 * iou_mean
    return loss

if __name__ == "__main__":
    import jax
    _d = setup_inputs()
    print(jax.jit(kernel)(*tuple(_d.values())))

</pallas_src>

<mosaic_0001>
#map = affine_map<(d0, d1) -> (0, 0, 0)>
#map1 = affine_map<(d0, d1) -> (0, 0)>
module attributes {stable_mosaic.version = 14 : i64} {
  func.func @_hist_sc_kernel(%arg0: i32, %arg1: i32, %arg2: memref<8x512x512xi32, #tpu.memory_space<hbm>>, %arg3: memref<1536x128xi32, #tpu.memory_space<hbm>>, %arg4: memref<128x512xi32, #tpu.memory_space<vmem>>, %arg5: memref<48x128xi32, #tpu.memory_space<vmem>>, %arg6: memref<24576xi32, #tpu.memory_space<vmem>>, %arg7: memref<!tpu.dma_semaphore, #tpu.memory_space<semaphore_mem>>) attributes {dimension_semantics = [#tpu.dimension_semantics<core_parallel>, #tpu.dimension_semantics<subcore_parallel>], iteration_bounds = array<i64: 2, 16>, scalar_prefetch = 0 : i64, scratch_operands = 4 : i64, tpu.core_type = #tpu.core_type<sc_vector_subcore>, window_params = [{transform_indices = #map}, {transform_indices = #map1}]} {
    %mul3A = arith.constant 2 : i32
    %mul3A_0 = arith.muli %arg1, %mul3A : i32
    %add3A = arith.addi %mul3A_0, %arg0 : i32
    %jit3A = arith.constant 4 : i32
    %div3A = arith.divsi %add3A, %jit3A : i32
    %sign3A = arith.constant 0 : i32
    %sign3A_1 = arith.cmpi sgt, %add3A, %sign3A : i32
    %sign3A_2 = arith.extui %sign3A_1 : i1 to i32
    %sign3A_3 = arith.constant 0 : i32
    %sign3A_4 = arith.cmpi slt, %add3A, %sign3A_3 : i32
    %sign3A_5 = arith.extui %sign3A_4 : i1 to i32
    %sign3A_6 = arith.subi %sign3A_2, %sign3A_5 : i32
    %sign3A_7 = arith.constant 0 : i32
    %sign3A_8 = arith.cmpi sgt, %jit3A, %sign3A_7 : i32
    %sign3A_9 = arith.extui %sign3A_8 : i1 to i32
    %sign3A_10 = arith.constant 0 : i32
    %sign3A_11 = arith.cmpi slt, %jit3A, %sign3A_10 : i32
    %sign3A_12 = arith.extui %sign3A_11 : i1 to i32
    %sign3A_13 = arith.subi %sign3A_9, %sign3A_12 : i32
    %ne3A = arith.cmpi ne, %sign3A_6, %sign3A_13 : i32
    %rem3A = arith.remsi %add3A, %jit3A : i32
    %ne3A_14 = arith.constant 0 : i32
    %ne3A_15 = arith.cmpi ne, %rem3A, %ne3A_14 : i32
    %and3A = arith.andi %ne3A, %ne3A_15 : i1
    %sub3A = arith.constant 1 : i32
    %sub3A_16 = arith.subi %div3A, %sub3A : i32
    %select_n3A = arith.select %and3A, %sub3A_16, %div3A : i32
    %jit3A_17 = arith.constant 4 : i32
    %eq3A = arith.constant 0 : i32
    %eq3A_18 = arith.cmpi eq, %jit3A_17, %eq3A : i32
    %jit3A_19 = arith.constant 1 : i32
    %select_n3A_20 = arith.select %eq3A_18, %jit3A_19, %jit3A_17 : i32
    %rem3A_21 = arith.remsi %add3A, %select_n3A_20 : i32
    %ne3A_22 = arith.constant 0 : i32
    %ne3A_23 = arith.cmpi ne, %rem3A_21, %ne3A_22 : i32
    %lt3A = arith.constant 0 : i32
    %lt3A_24 = arith.cmpi slt, %rem3A_21, %lt3A : i32
    %lt3A_25 = arith.constant 0 : i32
    %lt3A_26 = arith.cmpi slt, %select_n3A_20, %lt3A_25 : i32
    %ne3A_27 = arith.xori %lt3A_24, %lt3A_26 : i1
    %and3A_28 = arith.andi %ne3A_27, %ne3A_23 : i1
    %add3A_29 = arith.addi %rem3A_21, %select_n3A_20 : i32
    %select_n3A_30 = arith.select %and3A_28, %add3A_29, %rem3A_21 : i32
    %mul3A_31 = arith.constant 128 : i32
    %mul3A_32 = arith.muli %select_n3A_30, %mul3A_31 : i32
    %dma_start3A = arith.constant 0 : i32
    %dma_start3A_33 = tpu.memref_slice %arg2[%select_n3A, %mul3A_32, %dma_start3A] : memref<8x512x512xi32, #tpu.memory_space<hbm>> -> memref<1x128x512xi32, #tpu.memory_space<hbm>>
    %dma_start3A_34 = tpu.memref_squeeze %dma_start3A_33 : memref<1x128x512xi32, #tpu.memory_space<hbm>> -> memref<128x512xi32, #tpu.memory_space<hbm>>
    %dma_start3A_35 = arith.constant 0 : i32
    %dma_start3A_36 = tpu.memref_slice %arg2[%select_n3A, %mul3A_32, %dma_start3A_35] : memref<8x512x512xi32, #tpu.memory_space<hbm>> -> memref<1x128x512xi32, #tpu.memory_space<hbm>>
    %dma_start3A_37 = tpu.memref_squeeze %dma_start3A_36 : memref<1x128x512xi32, #tpu.memory_space<hbm>> -> memref<128x512xi32, #tpu.memory_space<hbm>>
    tpu.enqueue_dma source(%dma_start3A_37 : memref<128x512xi32, #tpu.memory_space<hbm>>) target(%arg4 : memref<128x512xi32, #tpu.memory_space<vmem>>) target_semaphore(%arg7 : memref<!tpu.dma_semaphore, #tpu.memory_space<semaphore_mem>>)
    %broadcast_in_dim3A = arith.constant 0 : i32
    %broadcast_in_dim3A_38 = vector.broadcast %broadcast_in_dim3A : i32 to vector<16xi32>
    %parallel_loop3A = arith.constant 0 : i32
    %parallel_loop3A_39 = arith.constant 1536 : i32
    %parallel_loop3A_40 = arith.constant 1 : i32
    scf.for %parallel_loop3A_68 = %parallel_loop3A to %parallel_loop3A_39 step %parallel_loop3A_40  : i32 {
      %parallel_loop3A_69 = arith.constant 16 : i32
      %parallel_loop3A_70 = arith.muli %parallel_loop3A_68, %parallel_loop3A_69 : i32
      %parallel_loop3A_71 = arith.index_cast %parallel_loop3A_70 : i32 to index
      %parallel_loop3A_72 = tpu.vector_load %arg6[%parallel_loop3A_71] {strides = array<i32>} : memref<24576xi32, #tpu.memory_space<vmem>>, vector<16xi32>,
      tpu.vector_store %arg6[%parallel_loop3A_71], %broadcast_in_dim3A_38 {strides = array<i32>} : memref<24576xi32, #tpu.memory_space<vmem>>, vector<16xi32>,
    } {sc.loop_unroll_factor = 8 : i64, sc.parallel_access}
    %dma_wait3A = arith.constant 0 : i32
    %dma_wait3A_41 = tpu.memref_slice %arg2[%select_n3A, %mul3A_32, %dma_wait3A] : memref<8x512x512xi32, #tpu.memory_space<hbm>> -> memref<1x128x512xi32, #tpu.memory_space<hbm>>
    %dma_wait3A_42 = tpu.memref_squeeze %dma_wait3A_41 : memref<1x128x512xi32, #tpu.memory_space<hbm>> -> memref<128x512xi32, #tpu.memory_space<hbm>>
    %dma_wait3A_43 = arith.constant 0 : i32
    %dma_wait3A_44 = tpu.memref_slice %arg2[%select_n3A, %mul3A_32, %dma_wait3A_43] : memref<8x512x512xi32, #tpu.memory_space<hbm>> -> memref<1x128x512xi32, #tpu.memory_space<hbm>>
    %dma_wait3A_45 = tpu.memref_squeeze %dma_wait3A_44 : memref<1x128x512xi32, #tpu.memory_space<hbm>> -> memref<128x512xi32, #tpu.memory_space<hbm>>
    tpu.wait_dma2 semaphore(%arg7 : memref<!tpu.dma_semaphore, #tpu.memory_space<semaphore_mem>>) src(%dma_wait3A_45 : memref<128x512xi32, #tpu.memory_space<hbm>>) dst(%arg4 : memref<128x512xi32, #tpu.memory_space<vmem>>)
    %broadcast_in_dim3A_46 = arith.constant 1 : i32
    %broadcast_in_dim3A_47 = vector.broadcast %broadcast_in_dim3A_46 : i32 to vector<16xi32>
    %iota3A = tpu.iota {dimensions = array<i32: 0>} : vector<16xi32>
    %add3A_48 = arith.constant 0 : i32
    %add3A_49 = vector.broadcast %add3A_48 : i32 to vector<16xi32>
    %add3A_50 = arith.addi %iota3A, %add3A_49 : vector<16xi32>
    %add3A_51 = arith.constant 6144 : i32
    %add3A_52 = vector.broadcast %add3A_51 : i32 to vector<16xi32>
    %add3A_53 = arith.addi %iota3A, %add3A_52 : vector<16xi32>
    %add3A_54 = arith.constant 12288 : i32
    %add3A_55 = vector.broadcast %add3A_54 : i32 to vector<16xi32>
    %add3A_56 = arith.addi %iota3A, %add3A_55 : vector<16xi32>
    %add3A_57 = arith.constant 18432 : i32
    %add3A_58 = vector.broadcast %add3A_57 : i32 to vector<16xi32>
    %add3A_59 = arith.addi %iota3A, %add3A_58 : vector<16xi32>
    %parallel_loop3A_60 = arith.constant 0 : i32
    %parallel_loop3A_61 = arith.constant 128 : i32
    %parallel_loop3A_62 = arith.constant 1 : i32
    scf.for %parallel_loop3A_68 = %parallel_loop3A_60 to %parallel_loop3A_61 step %parallel_loop3A_62  : i32 {
      %parallel_loop3A_69 = arith.index_cast %parallel_loop3A_68 : i32 to index
      %parallel_loop3A_70 = arith.constant 0 : index
      %parallel_loop3A_71 = tpu.vector_load %arg4[%parallel_loop3A_69, %parallel_loop3A_70] {strides = array<i32>} : memref<128x512xi32, #tpu.memory_space<vmem>>, vector<16xi32>,
      %parallel_loop3A_72 = arith.addi %parallel_loop3A_71, %add3A_50 : vector<16xi32>
      tpu.vector_store_idx %arg6[%parallel_loop3A_72], %broadcast_in_dim3A_47 {add = true} : memref<24576xi32, #tpu.memory_space<vmem>>[vector<16xi32>], vector<16xi32>,
      %parallel_loop3A_73 = arith.index_cast %parallel_loop3A_68 : i32 to index
      %parallel_loop3A_74 = arith.constant 16 : index
      %parallel_loop3A_75 = tpu.vector_load %arg4[%parallel_loop3A_73, %parallel_loop3A_74] {strides = array<i32>} : memref<128x512xi32, #tpu.memory_space<vmem>>, vector<16xi32>,
      %parallel_loop3A_76 = arith.addi %parallel_loop3A_75, %add3A_53 : vector<16xi32>
      tpu.vector_store_idx %arg6[%parallel_loop3A_76], %broadcast_in_dim3A_47 {add = true} : memref<24576xi32, #tpu.memory_space<vmem>>[vector<16xi32>], vector<16xi32>,
      %parallel_loop3A_77 = arith.index_cast %parallel_loop3A_68 : i32 to index
      %parallel_loop3A_78 = arith.constant 32 : index
      %parallel_loop3A_79 = tpu.vector_load %arg4[%parallel_loop3A_77, %parallel_loop3A_78] {strides = array<i32>} : memref<128x512xi32, #tpu.memory_space<vmem>>, vector<16xi32>,
      %parallel_loop3A_80 = arith.addi %parallel_loop3A_79, %add3A_56 : vector<16xi32>
      tpu.vector_store_idx %arg6[%parallel_loop3A_80], %broadcast_in_dim3A_47 {add = true} : memref<24576xi32, #tpu.memory_space<vmem>>[vector<16xi32>], vector<16xi32>,
      %parallel_loop3A_81 = arith.index_cast %parallel_loop3A_68 : i32 to index
      %parallel_loop3A_82 = arith.constant 48 : index
      %parallel_loop3A_83 = tpu.vector_load %arg4[%parallel_loop3A_81, %parallel_loop3A_82] {strides = array<i32>} : memref<128x512xi32, #tpu.memory_space<vmem>>, vector<16xi32>,
      %parallel_loop3A_84 = arith.addi %parallel_loop3A_83, %add3A_59 : vector<16xi32>
      tpu.vector_store_idx %arg6[%parallel_loop3A_84], %broadcast_in_dim3A_47 {add = true} : memref<24576xi32, #tpu.memory_space<vmem>>[vector<16xi32>], vector<16xi32>,
      %parallel_loop3A_85 = arith.index_cast %parallel_loop3A_68 : i32 to index
      %parallel_loop3A_86 = arith.constant 64 : index
      %parallel_loop3A_87 = tpu.vector_load %arg4[%parallel_loop3A_85, %parallel_loop3A_86] {strides = array<i32>} : memref<128x512xi32, #tpu.memory_space<vmem>>, vector<16xi32>,
      %parallel_loop3A_88 = arith.addi %parallel_loop3A_87, %add3A_50 : vector<16xi32>
      tpu.vector_store_idx %arg6[%parallel_loop3A_88], %broadcast_in_dim3A_47 {add = true} : memref<24576xi32, #tpu.memory_space<vmem>>[vector<16xi32>], vector<16xi32>,
      %parallel_loop3A_89 = arith.index_cast %parallel_loop3A_68 : i32 to index
      %parallel_loop3A_90 = arith.constant 80 : index
      %parallel_loop3A_91 = tpu.vector_load %arg4[%parallel_loop3A_89, %parallel_loop3A_90] {strides = array<i32>} : memref<128x512xi32, #tpu.memory_space<vmem>>, vector<16xi32>,
      %parallel_loop3A_92 = arith.addi %parallel_loop3A_91, %add3A_53 : vector<16xi32>
      tpu.vector_store_idx %arg6[%parallel_loop3A_92], %broadcast_in_dim3A_47 {add = true} : memref<24576xi32, #tpu.memory_space<vmem>>[vector<16xi32>], vector<16xi32>,
      %parallel_loop3A_93 = arith.index_cast %parallel_loop3A_68 : i32 to index
      %parallel_loop3A_94 = arith.constant 96 : index
      %parallel_loop3A_95 = tpu.vector_load %arg4[%parallel_loop3A_93, %parallel_loop3A_94] {strides = array<i32>} : memref<128x512xi32, #tpu.memory_space<vmem>>, vector<16xi32>,
      %parallel_loop3A_96 = arith.addi %parallel_loop3A_95, %add3A_56 : vector<16xi32>
      tpu.vector_store_idx %arg6[%parallel_loop3A_96], %broadcast_in_dim3A_47 {add = true} : memref<24576xi32, #tpu.memory_space<vmem>>[vector<16xi32>], vector<16xi32>,
      %parallel_loop3A_97 = arith.index_cast %parallel_loop3A_68 : i32 to index
      %parallel_loop3A_98 = arith.constant 112 : index
      %parallel_loop3A_99 = tpu.vector_load %arg4[%parallel_loop3A_97, %parallel_loop3A_98] {strides = array<i32>} : memref<128x512xi32, #tpu.memory_space<vmem>>, vector<16xi32>,
      %parallel_loop3A_100 = arith.addi %parallel_loop3A_99, %add3A_59 : vector<16xi32>
      tpu.vector_store_idx %arg6[%parallel_loop3A_100], %broadcast_in_dim3A_47 {add = true} : memref<24576xi32, #tpu.memory_space<vmem>>[vector<16xi32>], vector<16xi32>,
      %parallel_loop3A_101 = arith.index_cast %parallel_loop3A_68 : i32 to index
      %parallel_loop3A_102 = arith.constant 128 : index
      %parallel_loop3A_103 = tpu.vector_load %arg4[%parallel_loop3A_101, %parallel_loop3A_102] {strides = array<i32>} : memref<128x512xi32, #tpu.memory_space<vmem>>, vector<16xi32>,
      %parallel_loop3A_104 = arith.addi %parallel_loop3A_103, %add3A_50 : vector<16xi32>
      tpu.vector_store_idx %arg6[%parallel_loop3A_104], %broadcast_in_dim3A_47 {add = true} : memref<24576xi32, #tpu.memory_space<vmem>>[vector<16xi32>], vector<16xi32>,
      %parallel_loop3A_105 = arith.index_cast %parallel_loop3A_68 : i32 to index
      %parallel_loop3A_106 = arith.constant 144 : index
      %parallel_loop3A_107 = tpu.vector_load %arg4[%parallel_loop3A_105, %parallel_loop3A_106] {strides = array<i32>} : memref<128x512xi32, #tpu.memory_space<vmem>>, vector<16xi32>,
      %parallel_loop3A_108 = arith.addi %parallel_loop3A_107, %add3A_53 : vector<16xi32>
      tpu.vector_store_idx %arg6[%parallel_loop3A_108], %broadcast_in_dim3A_47 {add = true} : memref<24576xi32, #tpu.memory_space<vmem>>[vector<16xi32>], vector<16xi32>,
      %parallel_loop3A_109 = arith.index_cast %parallel_loop3A_68 : i32 to index
      %parallel_loop3A_110 = arith.constant 160 : index
      %parallel_loop3A_111 = tpu.vector_load %arg4[%parallel_loop3A_109, %parallel_loop3A_110] {strides = array<i32>} : memref<128x512xi32, #tpu.memory_space<vmem>>, vector<16xi32>,
      %parallel_loop3A_112 = arith.addi %parallel_loop3A_111, %add3A_56 : vector<16xi32>
      tpu.vector_store_idx %arg6[%parallel_loop3A_112], %broadcast_in_dim3A_47 {add = true} : memref<24576xi32, #tpu.memory_space<vmem>>[vector<16xi32>], vector<16xi32>,
      %parallel_loop3A_113 = arith.index_cast %parallel_loop3A_68 : i32 to index
      %parallel_loop3A_114 = arith.constant 176 : index
      %parallel_loop3A_115 = tpu.vector_load %arg4[%parallel_loop3A_113, %parallel_loop3A_114] {strides = array<i32>} : memref<128x512xi32, #tpu.memory_space<vmem>>, vector<16xi32>,
      %parallel_loop3A_116 = arith.addi %parallel_loop3A_115, %add3A_59 : vector<16xi32>
      tpu.vector_store_idx %arg6[%parallel_loop3A_116], %broadcast_in_dim3A_47 {add = true} : memref<24576xi32, #tpu.memory_space<vmem>>[vector<16xi32>], vector<16xi32>,
      %parallel_loop3A_117 = arith.index_cast %parallel_loop3A_68 : i32 to index
      %parallel_loop3A_118 = arith.constant 192 : index
      %parallel_loop3A_119 = tpu.vector_load %arg4[%parallel_loop3A_117, %parallel_loop3A_118] {strides = array<i32>} : memref<128x512xi32, #tpu.memory_space<vmem>>, vector<16xi32>,
      %parallel_loop3A_120 = arith.addi %parallel_loop3A_119, %add3A_50 : vector<16xi32>
      tpu.vector_store_idx %arg6[%parallel_loop3A_120], %broadcast_in_dim3A_47 {add = true} : memref<24576xi32, #tpu.memory_space<vmem>>[vector<16xi32>], vector<16xi32>,
      %parallel_loop3A_121 = arith.index_cast %parallel_loop3A_68 : i32 to index
      %parallel_loop3A_122 = arith.constant 208 : index
      %parallel_loop3A_123 = tpu.vector_load %arg4[%parallel_loop3A_121, %parallel_loop3A_122] {strides = array<i32>} : memref<128x512xi32, #tpu.memory_space<vmem>>, vector<16xi32>,
      %parallel_loop3A_124 = arith.addi %parallel_loop3A_123, %add3A_53 : vector<16xi32>
      tpu.vector_store_idx %arg6[%parallel_loop3A_124], %broadcast_in_dim3A_47 {add = true} : memref<24576xi32, #tpu.memory_space<vmem>>[vector<16xi32>], vector<16xi32>,
      %parallel_loop3A_125 = arith.index_cast %parallel_loop3A_68 : i32 to index
      %parallel_loop3A_126 = arith.constant 224 : index
      %parallel_loop3A_127 = tpu.vector_load %arg4[%parallel_loop3A_125, %parallel_loop3A_126] {strides = array<i32>} : memref<128x512xi32, #tpu.memory_space<vmem>>, vector<16xi32>,
      %parallel_loop3A_128 = arith.addi %parallel_loop3A_127, %add3A_56 : vector<16xi32>
      tpu.vector_store_idx %arg6[%parallel_loop3A_128], %broadcast_in_dim3A_47 {add = true} : memref<24576xi32, #tpu.memory_space<vmem>>[vector<16xi32>], vector<16xi32>,
      %parallel_loop3A_129 = arith.index_cast %parallel_loop3A_68 : i32 to index
      %parallel_loop3A_130 = arith.constant 240 : index
      %parallel_loop3A_131 = tpu.vector_load %arg4[%parallel_loop3A_129, %parallel_loop3A_130] {strides = array<i32>} : memref<128x512xi32, #tpu.memory_space<vmem>>, vector<16xi32>,
      %parallel_loop3A_132 = arith.addi %parallel_loop3A_131, %add3A_59 : vector<16xi32>
      tpu.vector_store_idx %arg6[%parallel_loop3A_132], %broadcast_in_dim3A_47 {add = true} : memref<24576xi32, #tpu.memory_space<vmem>>[vector<16xi32>], vector<16xi32>,
      %parallel_loop3A_133 = arith.index_cast %parallel_loop3A_68 : i32 to index
      %parallel_loop3A_134 = arith.constant 256 : index
      %parallel_loop3A_135 = tpu.vector_load %arg4[%parallel_loop3A_133, %parallel_loop3A_134] {strides = array<i32>} : memref<128x512xi32, #tpu.memory_space<vmem>>, vector<16xi32>,
      %parallel_loop3A_136 = arith.addi %parallel_loop3A_135, %add3A_50 : vector<16xi32>
      tpu.vector_store_idx %arg6[%parallel_loop3A_136], %broadcast_in_dim3A_47 {add = true} : memref<24576xi32, #tpu.memory_space<vmem>>[vector<16xi32>], vector<16xi32>,
      %parallel_loop3A_137 = arith.index_cast %parallel_loop3A_68 : i32 to index
      %parallel_loop3A_138 = arith.constant 272 : index
      %parallel_loop3A_139 = tpu.vector_load %arg4[%parallel_loop3A_137, %parallel_loop3A_138] {strides = array<i32>} : memref<128x512xi32, #tpu.memory_space<vmem>>, vector<16xi32>,
      %parallel_loop3A_140 = arith.addi %parallel_loop3A_139, %add3A_53 : vector<16xi32>
      tpu.vector_store_idx %arg6[%parallel_loop3A_140], %broadcast_in_dim3A_47 {add = true} : memref<24576xi32, #tpu.memory_space<vmem>>[vector<16xi32>], vector<16xi32>,
      %parallel_loop3A_141 = arith.index_cast %parallel_loop3A_68 : i32 to index
      %parallel_loop3A_142 = arith.constant 288 : index
      %parallel_loop3A_143 = tpu.vector_load %arg4[%parallel_loop3A_141, %parallel_loop3A_142] {strides = array<i32>} : memref<128x512xi32, #tpu.memory_space<vmem>>, vector<16xi32>,
      %parallel_loop3A_144 = arith.addi %parallel_loop3A_143, %add3A_56 : vector<16xi32>
      tpu.vector_store_idx %arg6[%parallel_loop3A_144], %broadcast_in_dim3A_47 {add = true} : memref<24576xi32, #tpu.memory_space<vmem>>[vector<16xi32>], vector<16xi32>,
      %parallel_loop3A_145 = arith.index_cast %parallel_loop3A_68 : i32 to index
      %parallel_loop3A_146 = arith.constant 304 : index
      %parallel_loop3A_147 = tpu.vector_load %arg4[%parallel_loop3A_145, %parallel_loop3A_146] {strides = array<i32>} : memref<128x512xi32, #tpu.memory_space<vmem>>, vector<16xi32>,
      %parallel_loop3A_148 = arith.addi %parallel_loop3A_147, %add3A_59 : vector<16xi32>
      tpu.vector_store_idx %arg6[%parallel_loop3A_148], %broadcast_in_dim3A_47 {add = true} : memref<24576xi32, #tpu.memory_space<vmem>>[vector<16xi32>], vector<16xi32>,
      %parallel_loop3A_149 = arith.index_cast %parallel_loop3A_68 : i32 to index
      %parallel_loop3A_150 = arith.constant 320 : index
      %parallel_loop3A_151 = tpu.vector_load %arg4[%parallel_loop3A_149, %parallel_loop3A_150] {strides = array<i32>} : memref<128x512xi32, #tpu.memory_space<vmem>>, vector<16xi32>,
      %parallel_loop3A_152 = arith.addi %parallel_loop3A_151, %add3A_50 : vector<16xi32>
      tpu.vector_store_idx %arg6[%parallel_loop3A_152], %broadcast_in_dim3A_47 {add = true} : memref<24576xi32, #tpu.memory_space<vmem>>[vector<16xi32>], vector<16xi32>,
      %parallel_loop3A_153 = arith.index_cast %parallel_loop3A_68 : i32 to index
      %parallel_loop3A_154 = arith.constant 336 : index
      %parallel_loop3A_155 = tpu.vector_load %arg4[%parallel_loop3A_153, %parallel_loop3A_154] {strides = array<i32>} : memref<128x512xi32, #tpu.memory_space<vmem>>, vector<16xi32>,
      %parallel_loop3A_156 = arith.addi %parallel_loop3A_155, %add3A_53 : vector<16xi32>
      tpu.vector_store_idx %arg6[%parallel_loop3A_156], %broadcast_in_dim3A_47 {add = true} : memref<24576xi32, #tpu.memory_space<vmem>>[vector<16xi32>], vector<16xi32>,
      %parallel_loop3A_157 = arith.index_cast %parallel_loop3A_68 : i32 to index
      %parallel_loop3A_158 = arith.constant 352 : index
      %parallel_loop3A_159 = tpu.vector_load %arg4[%parallel_loop3A_157, %parallel_loop3A_158] {strides = array<i32>} : memref<128x512xi32, #tpu.memory_space<vmem>>, vector<16xi32>,
      %parallel_loop3A_160 = arith.addi %parallel_loop3A_159, %add3A_56 : vector<16xi32>
      tpu.vector_store_idx %arg6[%parallel_loop3A_160], %broadcast_in_dim3A_47 {add = true} : memref<24576xi32, #tpu.memory_space<vmem>>[vector<16xi32>], vector<16xi32>,
      %parallel_loop3A_161 = arith.index_cast %parallel_loop3A_68 : i32 to index
      %parallel_loop3A_162 = arith.constant 368 : index
      %parallel_loop3A_163 = tpu.vector_load %arg4[%parallel_loop3A_161, %parallel_loop3A_162] {strides = array<i32>} : memref<128x512xi32, #tpu.memory_space<vmem>>, vector<16xi32>,
      %parallel_loop3A_164 = arith.addi %parallel_loop3A_163, %add3A_59 : vector<16xi32>
      tpu.vector_store_idx %arg6[%parallel_loop3A_164], %broadcast_in_dim3A_47 {add = true} : memref<24576xi32, #tpu.memory_space<vmem>>[vector<16xi32>], vector<16xi32>,
      %parallel_loop3A_165 = arith.index_cast %parallel_loop3A_68 : i32 to index
      %parallel_loop3A_166 = arith.constant 384 : index
      %parallel_loop3A_167 = tpu.vector_load %arg4[%parallel_loop3A_165, %parallel_loop3A_166] {strides = array<i32>} : memref<128x512xi32, #tpu.memory_space<vmem>>, vector<16xi32>,
      %parallel_loop3A_168 = arith.addi %parallel_loop3A_167, %add3A_50 : vector<16xi32>
      tpu.vector_store_idx %arg6[%parallel_loop3A_168], %broadcast_in_dim3A_47 {add = true} : memref<24576xi32, #tpu.memory_space<vmem>>[vector<16xi32>], vector<16xi32>,
      %parallel_loop3A_169 = arith.index_cast %parallel_loop3A_68 : i32 to index
      %parallel_loop3A_170 = arith.constant 400 : index
      %parallel_loop3A_171 = tpu.vector_load %arg4[%parallel_loop3A_169, %parallel_loop3A_170] {strides = array<i32>} : memref<128x512xi32, #tpu.memory_space<vmem>>, vector<16xi32>,
      %parallel_loop3A_172 = arith.addi %parallel_loop3A_171, %add3A_53 : vector<16xi32>
      tpu.vector_store_idx %arg6[%parallel_loop3A_172], %broadcast_in_dim3A_47 {add = true} : memref<24576xi32, #tpu.memory_space<vmem>>[vector<16xi32>], vector<16xi32>,
      %parallel_loop3A_173 = arith.index_cast %parallel_loop3A_68 : i32 to index
      %parallel_loop3A_174 = arith.constant 416 : index
      %parallel_loop3A_175 = tpu.vector_load %arg4[%parallel_loop3A_173, %parallel_loop3A_174] {strides = array<i32>} : memref<128x512xi32, #tpu.memory_space<vmem>>, vector<16xi32>,
      %parallel_loop3A_176 = arith.addi %parallel_loop3A_175, %add3A_56 : vector<16xi32>
      tpu.vector_store_idx %arg6[%parallel_loop3A_176], %broadcast_in_dim3A_47 {add = true} : memref<24576xi32, #tpu.memory_space<vmem>>[vector<16xi32>], vector<16xi32>,
      %parallel_loop3A_177 = arith.index_cast %parallel_loop3A_68 : i32 to index
      %parallel_loop3A_178 = arith.constant 432 : index
      %parallel_loop3A_179 = tpu.vector_load %arg4[%parallel_loop3A_177, %parallel_loop3A_178] {strides = array<i32>} : memref<128x512xi32, #tpu.memory_space<vmem>>, vector<16xi32>,
      %parallel_loop3A_180 = arith.addi %parallel_loop3A_179, %add3A_59 : vector<16xi32>
      tpu.vector_store_idx %arg6[%parallel_loop3A_180], %broadcast_in_dim3A_47 {add = true} : memref<24576xi32, #tpu.memory_space<vmem>>[vector<16xi32>], vector<16xi32>,
      %parallel_loop3A_181 = arith.index_cast %parallel_loop3A_68 : i32 to index
      %parallel_loop3A_182 = arith.constant 448 : index
      %parallel_loop3A_183 = tpu.vector_load %arg4[%parallel_loop3A_181, %parallel_loop3A_182] {strides = array<i32>} : memref<128x512xi32, #tpu.memory_space<vmem>>, vector<16xi32>,
      %parallel_loop3A_184 = arith.addi %parallel_loop3A_183, %add3A_50 : vector<16xi32>
      tpu.vector_store_idx %arg6[%parallel_loop3A_184], %broadcast_in_dim3A_47 {add = true} : memref<24576xi32, #tpu.memory_space<vmem>>[vector<16xi32>], vector<16xi32>,
      %parallel_loop3A_185 = arith.index_cast %parallel_loop3A_68 : i32 to index
      %parallel_loop3A_186 = arith.constant 464 : index
      %parallel_loop3A_187 = tpu.vector_load %arg4[%parallel_loop3A_185, %parallel_loop3A_186] {strides = array<i32>} : memref<128x512xi32, #tpu.memory_space<vmem>>, vector<16xi32>,
      %parallel_loop3A_188 = arith.addi %parallel_loop3A_187, %add3A_53 : vector<16xi32>
      tpu.vector_store_idx %arg6[%parallel_loop3A_188], %broadcast_in_dim3A_47 {add = true} : memref<24576xi32, #tpu.memory_space<vmem>>[vector<16xi32>], vector<16xi32>,
      %parallel_loop3A_189 = arith.index_cast %parallel_loop3A_68 : i32 to index
      %parallel_loop3A_190 = arith.constant 480 : index
      %parallel_loop3A_191 = tpu.vector_load %arg4[%parallel_loop3A_189, %parallel_loop3A_190] {strides = array<i32>} : memref<128x512xi32, #tpu.memory_space<vmem>>, vector<16xi32>,
      %parallel_loop3A_192 = arith.addi %parallel_loop3A_191, %add3A_56 : vector<16xi32>
      tpu.vector_store_idx %arg6[%parallel_loop3A_192], %broadcast_in_dim3A_47 {add = true} : memref<24576xi32, #tpu.memory_space<vmem>>[vector<16xi32>], vector<16xi32>,
      %parallel_loop3A_193 = arith.index_cast %parallel_loop3A_68 : i32 to index
      %parallel_loop3A_194 = arith.constant 496 : index
      %parallel_loop3A_195 = tpu.vector_load %arg4[%parallel_loop3A_193, %parallel_loop3A_194] {strides = array<i32>} : memref<128x512xi32, #tpu.memory_space<vmem>>, vector<16xi32>,
      %parallel_loop3A_196 = arith.addi %parallel_loop3A_195, %add3A_59 : vector<16xi32>
      tpu.vector_store_idx %arg6[%parallel_loop3A_196], %broadcast_in_dim3A_47 {add = true} : memref<24576xi32, #tpu.memory_space<vmem>>[vector<16xi32>], vector<16xi32>,
    } {sc.loop_unroll_factor = 2 : i64, sc.parallel_access}
    %parallel_loop3A_63 = arith.constant 0 : i32
    %parallel_loop3A_64 = arith.constant 384 : i32
    %parallel_loop3A_65 = arith.constant 1 : i32
    scf.for %parallel_loop3A_68 = %parallel_loop3A_63 to %parallel_loop3A_64 step %parallel_loop3A_65  : i32 {
      %parallel_loop3A_69 = arith.constant 16 : i32
      %parallel_loop3A_70 = arith.muli %parallel_loop3A_68, %parallel_loop3A_69 : i32
      %parallel_loop3A_71 = arith.index_cast %parallel_loop3A_70 : i32 to index
      %parallel_loop3A_72 = tpu.vector_load %arg6[%parallel_loop3A_71] {strides = array<i32>} : memref<24576xi32, #tpu.memory_space<vmem>>, vector<16xi32>,
      %parallel_loop3A_73 = arith.constant 6144 : i32
      %parallel_loop3A_74 = arith.addi %parallel_loop3A_73, %parallel_loop3A_70 : i32
      %parallel_loop3A_75 = arith.index_cast %parallel_loop3A_74 : i32 to index
      %parallel_loop3A_76 = tpu.vector_load %arg6[%parallel_loop3A_75] {strides = array<i32>} : memref<24576xi32, #tpu.memory_space<vmem>>, vector<16xi32>,
      %parallel_loop3A_77 = arith.addi %parallel_loop3A_72, %parallel_loop3A_76 : vector<16xi32>
      %parallel_loop3A_78 = arith.constant 12288 : i32
      %parallel_loop3A_79 = arith.addi %parallel_loop3A_78, %parallel_loop3A_70 : i32
      %parallel_loop3A_80 = arith.index_cast %parallel_loop3A_79 : i32 to index
      %parallel_loop3A_81 = tpu.vector_load %arg6[%parallel_loop3A_80] {strides = array<i32>} : memref<24576xi32, #tpu.memory_space<vmem>>, vector<16xi32>,
      %parallel_loop3A_82 = arith.constant 18432 : i32
      %parallel_loop3A_83 = arith.addi %parallel_loop3A_82, %parallel_loop3A_70 : i32
      %parallel_loop3A_84 = arith.index_cast %parallel_loop3A_83 : i32 to index
      %parallel_loop3A_85 = tpu.vector_load %arg6[%parallel_loop3A_84] {strides = array<i32>} : memref<24576xi32, #tpu.memory_space<vmem>>, vector<16xi32>,
      %parallel_loop3A_86 = arith.addi %parallel_loop3A_81, %parallel_loop3A_85 : vector<16xi32>
      %parallel_loop3A_87 = arith.addi %parallel_loop3A_77, %parallel_loop3A_86 : vector<16xi32>
      %parallel_loop3A_88 = arith.constant 3 : i32
      %parallel_loop3A_89 = arith.shrsi %parallel_loop3A_68, %parallel_loop3A_88 : i32
      %parallel_loop3A_90 = arith.constant 7 : i32
      %parallel_loop3A_91 = arith.andi %parallel_loop3A_68, %parallel_loop3A_90 : i32
      %parallel_loop3A_92 = arith.constant 16 : i32
      %parallel_loop3A_93 = arith.muli %parallel_loop3A_91, %parallel_loop3A_92 : i32
      %parallel_loop3A_94 = arith.index_cast %parallel_loop3A_89 : i32 to index
      %parallel_loop3A_95 = arith.index_cast %parallel_loop3A_93 : i32 to index
      %parallel_loop3A_96 = tpu.vector_load %arg5[%parallel_loop3A_94, %parallel_loop3A_95] {strides = array<i32>} : memref<48x128xi32, #tpu.memory_space<vmem>>, vector<16xi32>,
      tpu.vector_store %arg5[%parallel_loop3A_94, %parallel_loop3A_95], %parallel_loop3A_87 {strides = array<i32>} : memref<48x128xi32, #tpu.memory_space<vmem>>, vector<16xi32>,
    } {sc.loop_unroll_factor = 4 : i64, sc.parallel_access}
    %mul3A_66 = arith.constant 48 : i32
    %mul3A_67 = arith.muli %add3A, %mul3A_66 : i32
    "tpu.region"() ({
      %run_scoped3A = tpu.sem_alloc : memref<!tpu.dma_semaphore, #tpu.memory_space<semaphore_mem>>
      %dma_start3A_68 = arith.constant 0 : i32
      %dma_start3A_69 = tpu.memref_slice %arg3[%mul3A_67, %dma_start3A_68] : memref<1536x128xi32, #tpu.memory_space<hbm>> -> memref<48x128xi32, #tpu.memory_space<hbm>>
      %dma_start3A_70 = arith.constant 0 : i32
      %dma_start3A_71 = tpu.memref_slice %arg3[%mul3A_67, %dma_start3A_70] : memref<1536x128xi32, #tpu.memory_space<hbm>> -> memref<48x128xi32, #tpu.memory_space<hbm>>
      tpu.enqueue_dma source(%arg5 : memref<48x128xi32, #tpu.memory_space<vmem>>) target(%dma_start3A_71 : memref<48x128xi32, #tpu.memory_space<hbm>>) target_semaphore(%run_scoped3A : memref<!tpu.dma_semaphore, #tpu.memory_space<semaphore_mem>>)
      %dma_wait3A_72 = arith.constant 0 : i32
      %dma_wait3A_73 = tpu.memref_slice %arg3[%mul3A_67, %dma_wait3A_72] : memref<1536x128xi32, #tpu.memory_space<hbm>> -> memref<48x128xi32, #tpu.memory_space<hbm>>
      %dma_wait3A_74 = arith.constant 0 : i32
      %dma_wait3A_75 = tpu.memref_slice %arg3[%mul3A_67, %dma_wait3A_74] : memref<1536x128xi32, #tpu.memory_space<hbm>> -> memref<48x128xi32, #tpu.memory_space<hbm>>
      tpu.wait_dma2 semaphore(%run_scoped3A : memref<!tpu.dma_semaphore, #tpu.memory_space<semaphore_mem>>) src(%arg5 : memref<48x128xi32, #tpu.memory_space<vmem>>) dst(%dma_wait3A_75 : memref<48x128xi32, #tpu.memory_space<hbm>>)
      tpu.yield
    }) : () -> ()
    return
  }
}

module attributes {stable_mosaic.version = 14 : i64} {
  func.func @_argmax_kernel(%arg0: i32, %arg1: i32, %arg2: memref<1x19x256x512xf32, #tpu.memory_space<vmem>>, %arg3: memref<1x256x512xi32, #tpu.memory_space<vmem>>, %arg4: memref<1x256x512xi32, #tpu.memory_space<vmem>>) attributes {dimension_semantics = [#tpu.dimension_semantics<arbitrary>, #tpu.dimension_semantics<arbitrary>], iteration_bounds = array<i64: 8, 2>, scalar_prefetch = 0 : i64, scratch_operands = 0 : i64, tpu.core_type = #tpu.core_type<tc>, window_params = [{transform_indices = @transform_0, window_bounds = array<i64: 1, 19, 256, 512>}, {transform_indices = @transform_1, window_bounds = array<i64: 1, 256, 512>}, {transform_indices = @transform_2, window_bounds = array<i64: 1, 256, 512>}]} {
    %get3A = arith.constant 0 : index
    %get3A_0 = arith.constant 0 : index
    %get3A_1 = arith.constant 0 : index
    %get3A_2 = arith.constant 0 : index
    %get3A_3 = vector.load %arg2[%get3A, %get3A_0, %get3A_1, %get3A_2] : memref<1x19x256x512xf32, #tpu.memory_space<vmem>>, vector<1x19x256x512xf32>
    %get3A_4 = vector.shape_cast %get3A_3 : vector<1x19x256x512xf32> to vector<19x256x512xf32>
    %get3A_5 = arith.constant 0 : index
    %get3A_6 = arith.constant 0 : index
    %get3A_7 = arith.constant 0 : index
    %get3A_8 = vector.load %arg3[%get3A_5, %get3A_6, %get3A_7] : memref<1x256x512xi32, #tpu.memory_space<vmem>>, vector<1x256x512xi32>
    %get3A_9 = vector.shape_cast %get3A_8 : vector<1x256x512xi32> to vector<256x512xi32>
    %slice3A = vector.extract_strided_slice %get3A_4 {offsets = [0, 0, 0], sizes = [1, 256, 512], strides = [1, 1, 1]} : vector<19x256x512xf32> to vector<1x256x512xf32>
    %squeeze3A = vector.shape_cast %slice3A : vector<1x256x512xf32> to vector<256x512xf32>
    %broadcast_in_dim3A = arith.constant 0 : i32
    %broadcast_in_dim3A_10 = vector.broadcast %broadcast_in_dim3A : i32 to vector<256x512xi32>
    %slice3A_11 = vector.extract_strided_slice %get3A_4 {offsets = [1, 0, 0], sizes = [1, 256, 512], strides = [1, 1, 1]} : vector<19x256x512xf32> to vector<1x256x512xf32>
    %squeeze3A_12 = vector.shape_cast %slice3A_11 : vector<1x256x512xf32> to vector<256x512xf32>
    %gt3A = arith.cmpf ogt, %squeeze3A_12, %squeeze3A : vector<256x512xf32>
    %select_n3A = arith.select %gt3A, %squeeze3A_12, %squeeze3A : vector<256x512xi1>, vector<256x512xf32>
    %jit3A = arith.constant 1 : i32
    %broadcast_in_dim3A_13 = vector.broadcast %jit3A : i32 to vector<256x512xi32>
    %select_n3A_14 = arith.select %gt3A, %broadcast_in_dim3A_13, %broadcast_in_dim3A_10 : vector<256x512xi1>, vector<256x512xi32>
    %slice3A_15 = vector.extract_strided_slice %get3A_4 {offsets = [2, 0, 0], sizes = [1, 256, 512], strides = [1, 1, 1]} : vector<19x256x512xf32> to vector<1x256x512xf32>
    %squeeze3A_16 = vector.shape_cast %slice3A_15 : vector<1x256x512xf32> to vector<256x512xf32>
    %gt3A_17 = arith.cmpf ogt, %squeeze3A_16, %select_n3A : vector<256x512xf32>
    %select_n3A_18 = arith.select %gt3A_17, %squeeze3A_16, %select_n3A : vector<256x512xi1>, vector<256x512xf32>
    %jit3A_19 = arith.constant 2 : i32
    %broadcast_in_dim3A_20 = vector.broadcast %jit3A_19 : i32 to vector<256x512xi32>
    %select_n3A_21 = arith.select %gt3A_17, %broadcast_in_dim3A_20, %select_n3A_14 : vector<256x512xi1>, vector<256x512xi32>
    %slice3A_22 = vector.extract_strided_slice %get3A_4 {offsets = [3, 0, 0], sizes = [1, 256, 512], strides = [1, 1, 1]} : vector<19x256x512xf32> to vector<1x256x512xf32>
    %squeeze3A_23 = vector.shape_cast %slice3A_22 : vector<1x256x512xf32> to vector<256x512xf32>
    %gt3A_24 = arith.cmpf ogt, %squeeze3A_23, %select_n3A_18 : vector<256x512xf32>
    %select_n3A_25 = arith.select %gt3A_24, %squeeze3A_23, %select_n3A_18 : vector<256x512xi1>, vector<256x512xf32>
    %jit3A_26 = arith.constant 3 : i32
    %broadcast_in_dim3A_27 = vector.broadcast %jit3A_26 : i32 to vector<256x512xi32>
    %select_n3A_28 = arith.select %gt3A_24, %broadcast_in_dim3A_27, %select_n3A_21 : vector<256x512xi1>, vector<256x512xi32>
    %slice3A_29 = vector.extract_strided_slice %get3A_4 {offsets = [4, 0, 0], sizes = [1, 256, 512], strides = [1, 1, 1]} : vector<19x256x512xf32> to vector<1x256x512xf32>
    %squeeze3A_30 = vector.shape_cast %slice3A_29 : vector<1x256x512xf32> to vector<256x512xf32>
    %gt3A_31 = arith.cmpf ogt, %squeeze3A_30, %select_n3A_25 : vector<256x512xf32>
    %select_n3A_32 = arith.select %gt3A_31, %squeeze3A_30, %select_n3A_25 : vector<256x512xi1>, vector<256x512xf32>
    %jit3A_33 = arith.constant 4 : i32
    %broadcast_in_dim3A_34 = vector.broadcast %jit3A_33 : i32 to vector<256x512xi32>
    %select_n3A_35 = arith.select %gt3A_31, %broadcast_in_dim3A_34, %select_n3A_28 : vector<256x512xi1>, vector<256x512xi32>
    %slice3A_36 = vector.extract_strided_slice %get3A_4 {offsets = [5, 0, 0], sizes = [1, 256, 512], strides = [1, 1, 1]} : vector<19x256x512xf32> to vector<1x256x512xf32>
    %squeeze3A_37 = vector.shape_cast %slice3A_36 : vector<1x256x512xf32> to vector<256x512xf32>
    %gt3A_38 = arith.cmpf ogt, %squeeze3A_37, %select_n3A_32 : vector<256x512xf32>
    %select_n3A_39 = arith.select %gt3A_38, %squeeze3A_37, %select_n3A_32 : vector<256x512xi1>, vector<256x512xf32>
    %jit3A_40 = arith.constant 5 : i32
    %broadcast_in_dim3A_41 = vector.broadcast %jit3A_40 : i32 to vector<256x512xi32>
    %select_n3A_42 = arith.select %gt3A_38, %broadcast_in_dim3A_41, %select_n3A_35 : vector<256x512xi1>, vector<256x512xi32>
    %slice3A_43 = vector.extract_strided_slice %get3A_4 {offsets = [6, 0, 0], sizes = [1, 256, 512], strides = [1, 1, 1]} : vector<19x256x512xf32> to vector<1x256x512xf32>
    %squeeze3A_44 = vector.shape_cast %slice3A_43 : vector<1x256x512xf32> to vector<256x512xf32>
    %gt3A_45 = arith.cmpf ogt, %squeeze3A_44, %select_n3A_39 : vector<256x512xf32>
    %select_n3A_46 = arith.select %gt3A_45, %squeeze3A_44, %select_n3A_39 : vector<256x512xi1>, vector<256x512xf32>
    %jit3A_47 = arith.constant 6 : i32
    %broadcast_in_dim3A_48 = vector.broadcast %jit3A_47 : i32 to vector<256x512xi32>
    %select_n3A_49 = arith.select %gt3A_45, %broadcast_in_dim3A_48, %select_n3A_42 : vector<256x512xi1>, vector<256x512xi32>
    %slice3A_50 = vector.extract_strided_slice %get3A_4 {offsets = [7, 0, 0], sizes = [1, 256, 512], strides = [1, 1, 1]} : vector<19x256x512xf32> to vector<1x256x512xf32>
    %squeeze3A_51 = vector.shape_cast %slice3A_50 : vector<1x256x512xf32> to vector<256x512xf32>
    %gt3A_52 = arith.cmpf ogt, %squeeze3A_51, %select_n3A_46 : vector<256x512xf32>
    %select_n3A_53 = arith.select %gt3A_52, %squeeze3A_51, %select_n3A_46 : vector<256x512xi1>, vector<256x512xf32>
    %jit3A_54 = arith.constant 7 : i32
    %broadcast_in_dim3A_55 = vector.broadcast %jit3A_54 : i32 to vector<256x512xi32>
    %select_n3A_56 = arith.select %gt3A_52, %broadcast_in_dim3A_55, %select_n3A_49 : vector<256x512xi1>, vector<256x512xi32>
    %slice3A_57 = vector.extract_strided_slice %get3A_4 {offsets = [8, 0, 0], sizes = [1, 256, 512], strides = [1, 1, 1]} : vector<19x256x512xf32> to vector<1x256x512xf32>
    %squeeze3A_58 = vector.shape_cast %slice3A_57 : vector<1x256x512xf32> to vector<256x512xf32>
    %gt3A_59 = arith.cmpf ogt, %squeeze3A_58, %select_n3A_53 : vector<256x512xf32>
    %select_n3A_60 = arith.select %gt3A_59, %squeeze3A_58, %select_n3A_53 : vector<256x512xi1>, vector<256x512xf32>
    %jit3A_61 = arith.constant 8 : i32
    %broadcast_in_dim3A_62 = vector.broadcast %jit3A_61 : i32 to vector<256x512xi32>
    %select_n3A_63 = arith.select %gt3A_59, %broadcast_in_dim3A_62, %select_n3A_56 : vector<256x512xi1>, vector<256x512xi32>
    %slice3A_64 = vector.extract_strided_slice %get3A_4 {offsets = [9, 0, 0], sizes = [1, 256, 512], strides = [1, 1, 1]} : vector<19x256x512xf32> to vector<1x256x512xf32>
    %squeeze3A_65 = vector.shape_cast %slice3A_64 : vector<1x256x512xf32> to vector<256x512xf32>
    %gt3A_66 = arith.cmpf ogt, %squeeze3A_65, %select_n3A_60 : vector<256x512xf32>
    %select_n3A_67 = arith.select %gt3A_66, %squeeze3A_65, %select_n3A_60 : vector<256x512xi1>, vector<256x512xf32>
    %jit3A_68 = arith.constant 9 : i32
    %broadcast_in_dim3A_69 = vector.broadcast %jit3A_68 : i32 to vector<256x512xi32>
    %select_n3A_70 = arith.select %gt3A_66, %broadcast_in_dim3A_69, %select_n3A_63 : vector<256x512xi1>, vector<256x512xi32>
    %slice3A_71 = vector.extract_strided_slice %get3A_4 {offsets = [10, 0, 0], sizes = [1, 256, 512], strides = [1, 1, 1]} : vector<19x256x512xf32> to vector<1x256x512xf32>
    %squeeze3A_72 = vector.shape_cast %slice3A_71 : vector<1x256x512xf32> to vector<256x512xf32>
    %gt3A_73 = arith.cmpf ogt, %squeeze3A_72, %select_n3A_67 : vector<256x512xf32>
    %select_n3A_74 = arith.select %gt3A_73, %squeeze3A_72, %select_n3A_67 : vector<256x512xi1>, vector<256x512xf32>
    %jit3A_75 = arith.constant 10 : i32
    %broadcast_in_dim3A_76 = vector.broadcast %jit3A_75 : i32 to vector<256x512xi32>
    %select_n3A_77 = arith.select %gt3A_73, %broadcast_in_dim3A_76, %select_n3A_70 : vector<256x512xi1>, vector<256x512xi32>
    %slice3A_78 = vector.extract_strided_slice %get3A_4 {offsets = [11, 0, 0], sizes = [1, 256, 512], strides = [1, 1, 1]} : vector<19x256x512xf32> to vector<1x256x512xf32>
    %squeeze3A_79 = vector.shape_cast %slice3A_78 : vector<1x256x512xf32> to vector<256x512xf32>
    %gt3A_80 = arith.cmpf ogt, %squeeze3A_79, %select_n3A_74 : vector<256x512xf32>
    %select_n3A_81 = arith.select %gt3A_80, %squeeze3A_79, %select_n3A_74 : vector<256x512xi1>, vector<256x512xf32>
    %jit3A_82 = arith.constant 11 : i32
    %broadcast_in_dim3A_83 = vector.broadcast %jit3A_82 : i32 to vector<256x512xi32>
    %select_n3A_84 = arith.select %gt3A_80, %broadcast_in_dim3A_83, %select_n3A_77 : vector<256x512xi1>, vector<256x512xi32>
    %slice3A_85 = vector.extract_strided_slice %get3A_4 {offsets = [12, 0, 0], sizes = [1, 256, 512], strides = [1, 1, 1]} : vector<19x256x512xf32> to vector<1x256x512xf32>
    %squeeze3A_86 = vector.shape_cast %slice3A_85 : vector<1x256x512xf32> to vector<256x512xf32>
    %gt3A_87 = arith.cmpf ogt, %squeeze3A_86, %select_n3A_81 : vector<256x512xf32>
    %select_n3A_88 = arith.select %gt3A_87, %squeeze3A_86, %select_n3A_81 : vector<256x512xi1>, vector<256x512xf32>
    %jit3A_89 = arith.constant 12 : i32
    %broadcast_in_dim3A_90 = vector.broadcast %jit3A_89 : i32 to vector<256x512xi32>
    %select_n3A_91 = arith.select %gt3A_87, %broadcast_in_dim3A_90, %select_n3A_84 : vector<256x512xi1>, vector<256x512xi32>
    %slice3A_92 = vector.extract_strided_slice %get3A_4 {offsets = [13, 0, 0], sizes = [1, 256, 512], strides = [1, 1, 1]} : vector<19x256x512xf32> to vector<1x256x512xf32>
    %squeeze3A_93 = vector.shape_cast %slice3A_92 : vector<1x256x512xf32> to vector<256x512xf32>
    %gt3A_94 = arith.cmpf ogt, %squeeze3A_93, %select_n3A_88 : vector<256x512xf32>
    %select_n3A_95 = arith.select %gt3A_94, %squeeze3A_93, %select_n3A_88 : vector<256x512xi1>, vector<256x512xf32>
    %jit3A_96 = arith.constant 13 : i32
    %broadcast_in_dim3A_97 = vector.broadcast %jit3A_96 : i32 to vector<256x512xi32>
    %select_n3A_98 = arith.select %gt3A_94, %broadcast_in_dim3A_97, %select_n3A_91 : vector<256x512xi1>, vector<256x512xi32>
    %slice3A_99 = vector.extract_strided_slice %get3A_4 {offsets = [14, 0, 0], sizes = [1, 256, 512], strides = [1, 1, 1]} : vector<19x256x512xf32> to vector<1x256x512xf32>
    %squeeze3A_100 = vector.shape_cast %slice3A_99 : vector<1x256x512xf32> to vector<256x512xf32>
    %gt3A_101 = arith.cmpf ogt, %squeeze3A_100, %select_n3A_95 : vector<256x512xf32>
    %select_n3A_102 = arith.select %gt3A_101, %squeeze3A_100, %select_n3A_95 : vector<256x512xi1>, vector<256x512xf32>
    %jit3A_103 = arith.constant 14 : i32
    %broadcast_in_dim3A_104 = vector.broadcast %jit3A_103 : i32 to vector<256x512xi32>
    %select_n3A_105 = arith.select %gt3A_101, %broadcast_in_dim3A_104, %select_n3A_98 : vector<256x512xi1>, vector<256x512xi32>
    %slice3A_106 = vector.extract_strided_slice %get3A_4 {offsets = [15, 0, 0], sizes = [1, 256, 512], strides = [1, 1, 1]} : vector<19x256x512xf32> to vector<1x256x512xf32>
    %squeeze3A_107 = vector.shape_cast %slice3A_106 : vector<1x256x512xf32> to vector<256x512xf32>
    %gt3A_108 = arith.cmpf ogt, %squeeze3A_107, %select_n3A_102 : vector<256x512xf32>
    %select_n3A_109 = arith.select %gt3A_108, %squeeze3A_107, %select_n3A_102 : vector<256x512xi1>, vector<256x512xf32>
    %jit3A_110 = arith.constant 15 : i32
    %broadcast_in_dim3A_111 = vector.broadcast %jit3A_110 : i32 to vector<256x512xi32>
    %select_n3A_112 = arith.select %gt3A_108, %broadcast_in_dim3A_111, %select_n3A_105 : vector<256x512xi1>, vector<256x512xi32>
    %slice3A_113 = vector.extract_strided_slice %get3A_4 {offsets = [16, 0, 0], sizes = [1, 256, 512], strides = [1, 1, 1]} : vector<19x256x512xf32> to vector<1x256x512xf32>
    %squeeze3A_114 = vector.shape_cast %slice3A_113 : vector<1x256x512xf32> to vector<256x512xf32>
    %gt3A_115 = arith.cmpf ogt, %squeeze3A_114, %select_n3A_109 : vector<256x512xf32>
    %select_n3A_116 = arith.select %gt3A_115, %squeeze3A_114, %select_n3A_109 : vector<256x512xi1>, vector<256x512xf32>
    %jit3A_117 = arith.constant 16 : i32
    %broadcast_in_dim3A_118 = vector.broadcast %jit3A_117 : i32 to vector<256x512xi32>
    %select_n3A_119 = arith.select %gt3A_115, %broadcast_in_dim3A_118, %select_n3A_112 : vector<256x512xi1>, vector<256x512xi32>
    %slice3A_120 = vector.extract_strided_slice %get3A_4 {offsets = [17, 0, 0], sizes = [1, 256, 512], strides = [1, 1, 1]} : vector<19x256x512xf32> to vector<1x256x512xf32>
    %squeeze3A_121 = vector.shape_cast %slice3A_120 : vector<1x256x512xf32> to vector<256x512xf32>
    %gt3A_122 = arith.cmpf ogt, %squeeze3A_121, %select_n3A_116 : vector<256x512xf32>
    %select_n3A_123 = arith.select %gt3A_122, %squeeze3A_121, %select_n3A_116 : vector<256x512xi1>, vector<256x512xf32>
    %jit3A_124 = arith.constant 17 : i32
    %broadcast_in_dim3A_125 = vector.broadcast %jit3A_124 : i32 to vector<256x512xi32>
    %select_n3A_126 = arith.select %gt3A_122, %broadcast_in_dim3A_125, %select_n3A_119 : vector<256x512xi1>, vector<256x512xi32>
    %slice3A_127 = vector.extract_strided_slice %get3A_4 {offsets = [18, 0, 0], sizes = [1, 256, 512], strides = [1, 1, 1]} : vector<19x256x512xf32> to vector<1x256x512xf32>
    %squeeze3A_128 = vector.shape_cast %slice3A_127 : vector<1x256x512xf32> to vector<256x512xf32>
    %gt3A_129 = arith.cmpf ogt, %squeeze3A_128, %select_n3A_123 : vector<256x512xf32>
    %jit3A_130 = arith.constant 18 : i32
    %broadcast_in_dim3A_131 = vector.broadcast %jit3A_130 : i32 to vector<256x512xi32>
    %select_n3A_132 = arith.select %gt3A_129, %broadcast_in_dim3A_131, %select_n3A_126 : vector<256x512xi1>, vector<256x512xi32>
    %mul3A = arith.constant 19 : i32
    %mul3A_133 = vector.broadcast %mul3A : i32 to vector<256x512xi32>
    %mul3A_134 = arith.muli %select_n3A_132, %mul3A_133 : vector<256x512xi32>
    %add3A = arith.addi %mul3A_134, %get3A_9 : vector<256x512xi32>
    %mul3A_135 = arith.constant 16 : i32
    %mul3A_136 = vector.broadcast %mul3A_135 : i32 to vector<256x512xi32>
    %mul3A_137 = arith.muli %add3A, %mul3A_136 : vector<256x512xi32>
    %swap3A = arith.constant 0 : index
    %swap3A_138 = arith.constant 0 : index
    %swap3A_139 = arith.constant 0 : index
    %swap3A_140 = vector.load %arg4[%swap3A, %swap3A_138, %swap3A_139] : memref<1x256x512xi32, #tpu.memory_space<vmem>>, vector<1x256x512xi32>
    %swap3A_141 = vector.shape_cast %swap3A_140 : vector<1x256x512xi32> to vector<256x512xi32>
    %swap3A_142 = vector.shape_cast %mul3A_137 : vector<256x512xi32> to vector<1x256x512xi32>
    tpu.vector_store %arg4[%swap3A, %swap3A_138, %swap3A_139], %swap3A_142 {strides = array<i32>} : memref<1x256x512xi32, #tpu.memory_space<vmem>>, vector<1x256x512xi32>,
    return
  }
  func.func @transform_0(%arg0: i32, %arg1: i32) -> (i32, i32, i32, i32) {
    %c0_i32 = arith.constant 0 : i32
    %c0_i32_0 = arith.constant 0 : i32
    %c0_i32_1 = arith.constant 0 : i32
    return %arg0, %c0_i32, %arg1, %c0_i32_0 : i32, i32, i32, i32
  }
  func.func @transform_1(%arg0: i32, %arg1: i32) -> (i32, i32, i32) {
    %c0_i32 = arith.constant 0 : i32
    %c0_i32_0 = arith.constant 0 : i32
    return %arg0, %arg1, %c0_i32 : i32, i32, i32
  }
  func.func @transform_2(%arg0: i32, %arg1: i32) -> (i32, i32, i32) {
    %c0_i32 = arith.constant 0 : i32
    %c0_i32_0 = arith.constant 0 : i32
    return %arg0, %arg1, %c0_i32 : i32, i32, i32
  }
}

module attributes {stable_mosaic.version = 14 : i64} {
  func.func @_epilogue_kernel(%arg0: memref<1536x128xi32, #tpu.memory_space<vmem>>, %arg1: memref<1x1xf32, #tpu.memory_space<vmem>>) attributes {dimension_semantics = [], scalar_prefetch = 0 : i64, scratch_operands = 0 : i64, tpu.core_type = #tpu.core_type<tc>} {
    %get3A = arith.constant 0 : index
    %get3A_0 = arith.constant 0 : index
    %get3A_1 = vector.load %arg0[%get3A, %get3A_0] : memref<1536x128xi32, #tpu.memory_space<vmem>>, vector<1536x128xi32>
    %reshape3A = vector.shape_cast %get3A_1 : vector<1536x128xi32> to vector<32x48x128xi32>
    %convert_element_type3A = arith.sitofp %reshape3A : vector<32x48x128xi32> to vector<32x48x128xf32>
    %reduce_sum3A = arith.constant dense<0.000000e+00> : vector<48x128xf32>
    %reduce_sum3A_2 = vector.multi_reduction <add>, %convert_element_type3A, %reduce_sum3A [0] : vector<32x48x128xf32> to vector<48x128xf32>
    %iota3A = tpu.iota {dimensions = array<i32: 0>} : vector<48x128xi32>
    %iota3A_3 = tpu.iota {dimensions = array<i32: 1>} : vector<48x128xi32>
    %mul3A = arith.constant 8 : i32
    %mul3A_4 = vector.broadcast %mul3A : i32 to vector<48x128xi32>
    %mul3A_5 = arith.muli %iota3A, %mul3A_4 : vector<48x128xi32>
    %jit3A = arith.constant 16 : i32
    %div3A = vector.broadcast %jit3A : i32 to vector<48x128xi32>
    %div3A_6 = arith.divsi %iota3A_3, %div3A : vector<48x128xi32>
    %sign3A = arith.constant 0 : i32
    %sign3A_7 = vector.broadcast %sign3A : i32 to vector<48x128xi32>
    %sign3A_8 = arith.cmpi sgt, %iota3A_3, %sign3A_7 : vector<48x128xi32>
    %sign3A_9 = arith.extui %sign3A_8 : vector<48x128xi1> to vector<48x128xi32>
    %sign3A_10 = arith.constant 0 : i32
    %sign3A_11 = vector.broadcast %sign3A_10 : i32 to vector<48x128xi32>
    %sign3A_12 = arith.cmpi slt, %iota3A_3, %sign3A_11 : vector<48x128xi32>
    %sign3A_13 = arith.extui %sign3A_12 : vector<48x128xi1> to vector<48x128xi32>
    %sign3A_14 = arith.subi %sign3A_9, %sign3A_13 : vector<48x128xi32>
    %sign3A_15 = arith.constant 0 : i32
    %sign3A_16 = arith.cmpi sgt, %jit3A, %sign3A_15 : i32
    %sign3A_17 = arith.extui %sign3A_16 : i1 to i32
    %sign3A_18 = arith.constant 0 : i32
    %sign3A_19 = arith.cmpi slt, %jit3A, %sign3A_18 : i32
    %sign3A_20 = arith.extui %sign3A_19 : i1 to i32
    %sign3A_21 = arith.subi %sign3A_17, %sign3A_20 : i32
    %ne3A = vector.broadcast %sign3A_21 : i32 to vector<48x128xi32>
    %ne3A_22 = arith.cmpi ne, %sign3A_14, %ne3A : vector<48x128xi32>
    %rem3A = vector.broadcast %jit3A : i32 to vector<48x128xi32>
    %rem3A_23 = arith.remsi %iota3A_3, %rem3A : vector<48x128xi32>
    %ne3A_24 = arith.constant 0 : i32
    %ne3A_25 = vector.broadcast %ne3A_24 : i32 to vector<48x128xi32>
    %ne3A_26 = arith.cmpi ne, %rem3A_23, %ne3A_25 : vector<48x128xi32>
    %and3A = arith.andi %ne3A_22, %ne3A_26 : vector<48x128xi1>
    %sub3A = arith.constant 1 : i32
    %sub3A_27 = vector.broadcast %sub3A : i32 to vector<48x128xi32>
    %sub3A_28 = arith.subi %div3A_6, %sub3A_27 : vector<48x128xi32>
    %select_n3A = arith.select %and3A, %sub3A_28, %div3A_6 : vector<48x128xi1>, vector<48x128xi32>
    %add3A = arith.addi %mul3A_5, %select_n3A : vector<48x128xi32>
    %jit3A_29 = arith.constant 19 : i32
    %div3A_30 = vector.broadcast %jit3A_29 : i32 to vector<48x128xi32>
    %div3A_31 = arith.divsi %add3A, %div3A_30 : vector<48x128xi32>
    %sign3A_32 = arith.constant 0 : i32
    %sign3A_33 = vector.broadcast %sign3A_32 : i32 to vector<48x128xi32>
    %sign3A_34 = arith.cmpi sgt, %add3A, %sign3A_33 : vector<48x128xi32>
    %sign3A_35 = arith.extui %sign3A_34 : vector<48x128xi1> to vector<48x128xi32>
    %sign3A_36 = arith.constant 0 : i32
    %sign3A_37 = vector.broadcast %sign3A_36 : i32 to vector<48x128xi32>
    %sign3A_38 = arith.cmpi slt, %add3A, %sign3A_37 : vector<48x128xi32>
    %sign3A_39 = arith.extui %sign3A_38 : vector<48x128xi1> to vector<48x128xi32>
    %sign3A_40 = arith.subi %sign3A_35, %sign3A_39 : vector<48x128xi32>
    %sign3A_41 = arith.constant 0 : i32
    %sign3A_42 = arith.cmpi sgt, %jit3A_29, %sign3A_41 : i32
    %sign3A_43 = arith.extui %sign3A_42 : i1 to i32
    %sign3A_44 = arith.constant 0 : i32
    %sign3A_45 = arith.cmpi slt, %jit3A_29, %sign3A_44 : i32
    %sign3A_46 = arith.extui %sign3A_45 : i1 to i32
    %sign3A_47 = arith.subi %sign3A_43, %sign3A_46 : i32
    %ne3A_48 = vector.broadcast %sign3A_47 : i32 to vector<48x128xi32>
    %ne3A_49 = arith.cmpi ne, %sign3A_40, %ne3A_48 : vector<48x128xi32>
    %rem3A_50 = vector.broadcast %jit3A_29 : i32 to vector<48x128xi32>
    %rem3A_51 = arith.remsi %add3A, %rem3A_50 : vector<48x128xi32>
    %ne3A_52 = arith.constant 0 : i32
    %ne3A_53 = vector.broadcast %ne3A_52 : i32 to vector<48x128xi32>
    %ne3A_54 = arith.cmpi ne, %rem3A_51, %ne3A_53 : vector<48x128xi32>
    %and3A_55 = arith.andi %ne3A_49, %ne3A_54 : vector<48x128xi1>
    %sub3A_56 = arith.constant 1 : i32
    %sub3A_57 = vector.broadcast %sub3A_56 : i32 to vector<48x128xi32>
    %sub3A_58 = arith.subi %div3A_31, %sub3A_57 : vector<48x128xi32>
    %select_n3A_59 = arith.select %and3A_55, %sub3A_58, %div3A_31 : vector<48x128xi1>, vector<48x128xi32>
    %mul3A_60 = arith.constant 19 : i32
    %mul3A_61 = vector.broadcast %mul3A_60 : i32 to vector<48x128xi32>
    %mul3A_62 = arith.muli %select_n3A_59, %mul3A_61 : vector<48x128xi32>
    %sub3A_63 = arith.subi %add3A, %mul3A_62 : vector<48x128xi32>
    %eq3A = arith.constant 0 : i32
    %eq3A_64 = vector.broadcast %eq3A : i32 to vector<48x128xi32>
    %eq3A_65 = arith.cmpi eq, %select_n3A_59, %eq3A_64 : vector<48x128xi32>
    %eq3A_66 = arith.constant 0 : i32
    %eq3A_67 = vector.broadcast %eq3A_66 : i32 to vector<48x128xi32>
    %eq3A_68 = arith.cmpi eq, %sub3A_63, %eq3A_67 : vector<48x128xi32>
    %jit3A_69 = arith.constant 0.000000e+00 : f32
    %broadcast_in_dim3A = vector.broadcast %jit3A_69 : f32 to vector<48x128xf32>
    %select_n3A_70 = arith.select %eq3A_65, %reduce_sum3A_2, %broadcast_in_dim3A : vector<48x128xi1>, vector<48x128xf32>
    %reduce_sum3A_71 = vector.shape_cast %select_n3A_70 : vector<48x128xf32> to vector<1x48x128xf32>
    %reduce_sum3A_72 = arith.constant dense<0.000000e+00> : vector<1xf32>
    %reduce_sum3A_73 = vector.multi_reduction <add>, %reduce_sum3A_71, %reduce_sum3A_72 [1, 2] : vector<1x48x128xf32> to vector<1xf32>
    %reduce_sum3A_74 = vector.shape_cast %reduce_sum3A_73 : vector<1xf32> to vector<1x1x1xf32>
    %reduce_sum3A_75 = vector.extract %reduce_sum3A_74[0, 0, 0] : f32 from vector<1x1x1xf32>
    %jit3A_76 = arith.constant 0.000000e+00 : f32
    %broadcast_in_dim3A_77 = vector.broadcast %jit3A_76 : f32 to vector<48x128xf32>
    %select_n3A_78 = arith.select %eq3A_68, %reduce_sum3A_2, %broadcast_in_dim3A_77 : vector<48x128xi1>, vector<48x128xf32>
    %reduce_sum3A_79 = vector.shape_cast %select_n3A_78 : vector<48x128xf32> to vector<1x48x128xf32>
    %reduce_sum3A_80 = arith.constant dense<0.000000e+00> : vector<1xf32>
    %reduce_sum3A_81 = vector.multi_reduction <add>, %reduce_sum3A_79, %reduce_sum3A_80 [1, 2] : vector<1x48x128xf32> to vector<1xf32>
    %reduce_sum3A_82 = vector.shape_cast %reduce_sum3A_81 : vector<1xf32> to vector<1x1x1xf32>
    %reduce_sum3A_83 = vector.extract %reduce_sum3A_82[0, 0, 0] : f32 from vector<1x1x1xf32>
    %and3A_84 = arith.andi %eq3A_65, %eq3A_68 : vector<48x128xi1>
    %jit3A_85 = arith.constant 0.000000e+00 : f32
    %broadcast_in_dim3A_86 = vector.broadcast %jit3A_85 : f32 to vector<48x128xf32>
    %select_n3A_87 = arith.select %and3A_84, %reduce_sum3A_2, %broadcast_in_dim3A_86 : vector<48x128xi1>, vector<48x128xf32>
    %reduce_sum3A_88 = vector.shape_cast %select_n3A_87 : vector<48x128xf32> to vector<1x48x128xf32>
    %reduce_sum3A_89 = arith.constant dense<0.000000e+00> : vector<1xf32>
    %reduce_sum3A_90 = vector.multi_reduction <add>, %reduce_sum3A_88, %reduce_sum3A_89 [1, 2] : vector<1x48x128xf32> to vector<1xf32>
    %reduce_sum3A_91 = vector.shape_cast %reduce_sum3A_90 : vector<1xf32> to vector<1x1x1xf32>
    %reduce_sum3A_92 = vector.extract %reduce_sum3A_91[0, 0, 0] : f32 from vector<1x1x1xf32>
    %add3A_93 = arith.addf %reduce_sum3A_75, %reduce_sum3A_83 : f32
    %sub3A_94 = arith.subf %add3A_93, %reduce_sum3A_92 : f32
    %add3A_95 = arith.constant 1.000000e-15 : f32
    %add3A_96 = arith.addf %sub3A_94, %add3A_95 : f32
    %div3A_97 = arith.divf %reduce_sum3A_92, %add3A_96 : f32
    %add3A_98 = arith.constant 0.000000e+00 : f32
    %add3A_99 = arith.addf %add3A_98, %div3A_97 : f32
    %eq3A_100 = arith.constant 1 : i32
    %eq3A_101 = vector.broadcast %eq3A_100 : i32 to vector<48x128xi32>
    %eq3A_102 = arith.cmpi eq, %select_n3A_59, %eq3A_101 : vector<48x128xi32>
    %eq3A_103 = arith.constant 1 : i32
    %eq3A_104 = vector.broadcast %eq3A_103 : i32 to vector<48x128xi32>
    %eq3A_105 = arith.cmpi eq, %sub3A_63, %eq3A_104 : vector<48x128xi32>
    %jit3A_106 = arith.constant 0.000000e+00 : f32
    %broadcast_in_dim3A_107 = vector.broadcast %jit3A_106 : f32 to vector<48x128xf32>
    %select_n3A_108 = arith.select %eq3A_102, %reduce_sum3A_2, %broadcast_in_dim3A_107 : vector<48x128xi1>, vector<48x128xf32>
    %reduce_sum3A_109 = vector.shape_cast %select_n3A_108 : vector<48x128xf32> to vector<1x48x128xf32>
    %reduce_sum3A_110 = arith.constant dense<0.000000e+00> : vector<1xf32>
    %reduce_sum3A_111 = vector.multi_reduction <add>, %reduce_sum3A_109, %reduce_sum3A_110 [1, 2] : vector<1x48x128xf32> to vector<1xf32>
    %reduce_sum3A_112 = vector.shape_cast %reduce_sum3A_111 : vector<1xf32> to vector<1x1x1xf32>
    %reduce_sum3A_113 = vector.extract %reduce_sum3A_112[0, 0, 0] : f32 from vector<1x1x1xf32>
    %jit3A_114 = arith.constant 0.000000e+00 : f32
    %broadcast_in_dim3A_115 = vector.broadcast %jit3A_114 : f32 to vector<48x128xf32>
    %select_n3A_116 = arith.select %eq3A_105, %reduce_sum3A_2, %broadcast_in_dim3A_115 : vector<48x128xi1>, vector<48x128xf32>
    %reduce_sum3A_117 = vector.shape_cast %select_n3A_116 : vector<48x128xf32> to vector<1x48x128xf32>
    %reduce_sum3A_118 = arith.constant dense<0.000000e+00> : vector<1xf32>
    %reduce_sum3A_119 = vector.multi_reduction <add>, %reduce_sum3A_117, %reduce_sum3A_118 [1, 2] : vector<1x48x128xf32> to vector<1xf32>
    %reduce_sum3A_120 = vector.shape_cast %reduce_sum3A_119 : vector<1xf32> to vector<1x1x1xf32>
    %reduce_sum3A_121 = vector.extract %reduce_sum3A_120[0, 0, 0] : f32 from vector<1x1x1xf32>
    %and3A_122 = arith.andi %eq3A_102, %eq3A_105 : vector<48x128xi1>
    %jit3A_123 = arith.constant 0.000000e+00 : f32
    %broadcast_in_dim3A_124 = vector.broadcast %jit3A_123 : f32 to vector<48x128xf32>
    %select_n3A_125 = arith.select %and3A_122, %reduce_sum3A_2, %broadcast_in_dim3A_124 : vector<48x128xi1>, vector<48x128xf32>
    %reduce_sum3A_126 = vector.shape_cast %select_n3A_125 : vector<48x128xf32> to vector<1x48x128xf32>
    %reduce_sum3A_127 = arith.constant dense<0.000000e+00> : vector<1xf32>
    %reduce_sum3A_128 = vector.multi_reduction <add>, %reduce_sum3A_126, %reduce_sum3A_127 [1, 2] : vector<1x48x128xf32> to vector<1xf32>
    %reduce_sum3A_129 = vector.shape_cast %reduce_sum3A_128 : vector<1xf32> to vector<1x1x1xf32>
    %reduce_sum3A_130 = vector.extract %reduce_sum3A_129[0, 0, 0] : f32 from vector<1x1x1xf32>
    %add3A_131 = arith.addf %reduce_sum3A_113, %reduce_sum3A_121 : f32
    %sub3A_132 = arith.subf %add3A_131, %reduce_sum3A_130 : f32
    %add3A_133 = arith.constant 1.000000e-15 : f32
    %add3A_134 = arith.addf %sub3A_132, %add3A_133 : f32
    %div3A_135 = arith.divf %reduce_sum3A_130, %add3A_134 : f32
    %add3A_136 = arith.addf %add3A_99, %div3A_135 : f32
    %eq3A_137 = arith.constant 2 : i32
    %eq3A_138 = vector.broadcast %eq3A_137 : i32 to vector<48x128xi32>
    %eq3A_139 = arith.cmpi eq, %select_n3A_59, %eq3A_138 : vector<48x128xi32>
    %eq3A_140 = arith.constant 2 : i32
    %eq3A_141 = vector.broadcast %eq3A_140 : i32 to vector<48x128xi32>
    %eq3A_142 = arith.cmpi eq, %sub3A_63, %eq3A_141 : vector<48x128xi32>
    %jit3A_143 = arith.constant 0.000000e+00 : f32
    %broadcast_in_dim3A_144 = vector.broadcast %jit3A_143 : f32 to vector<48x128xf32>
    %select_n3A_145 = arith.select %eq3A_139, %reduce_sum3A_2, %broadcast_in_dim3A_144 : vector<48x128xi1>, vector<48x128xf32>
    %reduce_sum3A_146 = vector.shape_cast %select_n3A_145 : vector<48x128xf32> to vector<1x48x128xf32>
    %reduce_sum3A_147 = arith.constant dense<0.000000e+00> : vector<1xf32>
    %reduce_sum3A_148 = vector.multi_reduction <add>, %reduce_sum3A_146, %reduce_sum3A_147 [1, 2] : vector<1x48x128xf32> to vector<1xf32>
    %reduce_sum3A_149 = vector.shape_cast %reduce_sum3A_148 : vector<1xf32> to vector<1x1x1xf32>
    %reduce_sum3A_150 = vector.extract %reduce_sum3A_149[0, 0, 0] : f32 from vector<1x1x1xf32>
    %jit3A_151 = arith.constant 0.000000e+00 : f32
    %broadcast_in_dim3A_152 = vector.broadcast %jit3A_151 : f32 to vector<48x128xf32>
    %select_n3A_153 = arith.select %eq3A_142, %reduce_sum3A_2, %broadcast_in_dim3A_152 : vector<48x128xi1>, vector<48x128xf32>
    %reduce_sum3A_154 = vector.shape_cast %select_n3A_153 : vector<48x128xf32> to vector<1x48x128xf32>
    %reduce_sum3A_155 = arith.constant dense<0.000000e+00> : vector<1xf32>
    %reduce_sum3A_156 = vector.multi_reduction <add>, %reduce_sum3A_154, %reduce_sum3A_155 [1, 2] : vector<1x48x128xf32> to vector<1xf32>
    %reduce_sum3A_157 = vector.shape_cast %reduce_sum3A_156 : vector<1xf32> to vector<1x1x1xf32>
    %reduce_sum3A_158 = vector.extract %reduce_sum3A_157[0, 0, 0] : f32 from vector<1x1x1xf32>
    %and3A_159 = arith.andi %eq3A_139, %eq3A_142 : vector<48x128xi1>
    %jit3A_160 = arith.constant 0.000000e+00 : f32
    %broadcast_in_dim3A_161 = vector.broadcast %jit3A_160 : f32 to vector<48x128xf32>
    %select_n3A_162 = arith.select %and3A_159, %reduce_sum3A_2, %broadcast_in_dim3A_161 : vector<48x128xi1>, vector<48x128xf32>
    %reduce_sum3A_163 = vector.shape_cast %select_n3A_162 : vector<48x128xf32> to vector<1x48x128xf32>
    %reduce_sum3A_164 = arith.constant dense<0.000000e+00> : vector<1xf32>
    %reduce_sum3A_165 = vector.multi_reduction <add>, %reduce_sum3A_163, %reduce_sum3A_164 [1, 2] : vector<1x48x128xf32> to vector<1xf32>
    %reduce_sum3A_166 = vector.shape_cast %reduce_sum3A_165 : vector<1xf32> to vector<1x1x1xf32>
    %reduce_sum3A_167 = vector.extract %reduce_sum3A_166[0, 0, 0] : f32 from vector<1x1x1xf32>
    %add3A_168 = arith.addf %reduce_sum3A_150, %reduce_sum3A_158 : f32
    %sub3A_169 = arith.subf %add3A_168, %reduce_sum3A_167 : f32
    %add3A_170 = arith.constant 1.000000e-15 : f32
    %add3A_171 = arith.addf %sub3A_169, %add3A_170 : f32
    %div3A_172 = arith.divf %reduce_sum3A_167, %add3A_171 : f32
    %add3A_173 = arith.addf %add3A_136, %div3A_172 : f32
    %eq3A_174 = arith.constant 3 : i32
    %eq3A_175 = vector.broadcast %eq3A_174 : i32 to vector<48x128xi32>
    %eq3A_176 = arith.cmpi eq, %select_n3A_59, %eq3A_175 : vector<48x128xi32>
    %eq3A_177 = arith.constant 3 : i32
    %eq3A_178 = vector.broadcast %eq3A_177 : i32 to vector<48x128xi32>
    %eq3A_179 = arith.cmpi eq, %sub3A_63, %eq3A_178 : vector<48x128xi32>
    %jit3A_180 = arith.constant 0.000000e+00 : f32
    %broadcast_in_dim3A_181 = vector.broadcast %jit3A_180 : f32 to vector<48x128xf32>
    %select_n3A_182 = arith.select %eq3A_176, %reduce_sum3A_2, %broadcast_in_dim3A_181 : vector<48x128xi1>, vector<48x128xf32>
    %reduce_sum3A_183 = vector.shape_cast %select_n3A_182 : vector<48x128xf32> to vector<1x48x128xf32>
    %reduce_sum3A_184 = arith.constant dense<0.000000e+00> : vector<1xf32>
    %reduce_sum3A_185 = vector.multi_reduction <add>, %reduce_sum3A_183, %reduce_sum3A_184 [1, 2] : vector<1x48x128xf32> to vector<1xf32>
    %reduce_sum3A_186 = vector.shape_cast %reduce_sum3A_185 : vector<1xf32> to vector<1x1x1xf32>
    %reduce_sum3A_187 = vector.extract %reduce_sum3A_186[0, 0, 0] : f32 from vector<1x1x1xf32>
    %jit3A_188 = arith.constant 0.000000e+00 : f32
    %broadcast_in_dim3A_189 = vector.broadcast %jit3A_188 : f32 to vector<48x128xf32>
    %select_n3A_190 = arith.select %eq3A_179, %reduce_sum3A_2, %broadcast_in_dim3A_189 : vector<48x128xi1>, vector<48x128xf32>
    %reduce_sum3A_191 = vector.shape_cast %select_n3A_190 : vector<48x128xf32> to vector<1x48x128xf32>
    %reduce_sum3A_192 = arith.constant dense<0.000000e+00> : vector<1xf32>
    %reduce_sum3A_193 = vector.multi_reduction <add>, %reduce_sum3A_191, %reduce_sum3A_192 [1, 2] : vector<1x48x128xf32> to vector<1xf32>
    %reduce_sum3A_194 = vector.shape_cast %reduce_sum3A_193 : vector<1xf32> to vector<1x1x1xf32>
    %reduce_sum3A_195 = vector.extract %reduce_sum3A_194[0, 0, 0] : f32 from vector<1x1x1xf32>
    %and3A_196 = arith.andi %eq3A_176, %eq3A_179 : vector<48x128xi1>
    %jit3A_197 = arith.constant 0.000000e+00 : f32
    %broadcast_in_dim3A_198 = vector.broadcast %jit3A_197 : f32 to vector<48x128xf32>
    %select_n3A_199 = arith.select %and3A_196, %reduce_sum3A_2, %broadcast_in_dim3A_198 : vector<48x128xi1>, vector<48x128xf32>
    %reduce_sum3A_200 = vector.shape_cast %select_n3A_199 : vector<48x128xf32> to vector<1x48x128xf32>
    %reduce_sum3A_201 = arith.constant dense<0.000000e+00> : vector<1xf32>
    %reduce_sum3A_202 = vector.multi_reduction <add>, %reduce_sum3A_200, %reduce_sum3A_201 [1, 2] : vector<1x48x128xf32> to vector<1xf32>
    %reduce_sum3A_203 = vector.shape_cast %reduce_sum3A_202 : vector<1xf32> to vector<1x1x1xf32>
    %reduce_sum3A_204 = vector.extract %reduce_sum3A_203[0, 0, 0] : f32 from vector<1x1x1xf32>
    %add3A_205 = arith.addf %reduce_sum3A_187, %reduce_sum3A_195 : f32
    %sub3A_206 = arith.subf %add3A_205, %reduce_sum3A_204 : f32
    %add3A_207 = arith.constant 1.000000e-15 : f32
    %add3A_208 = arith.addf %sub3A_206, %add3A_207 : f32
    %div3A_209 = arith.divf %reduce_sum3A_204, %add3A_208 : f32
    %add3A_210 = arith.addf %add3A_173, %div3A_209 : f32
    %eq3A_211 = arith.constant 4 : i32
    %eq3A_212 = vector.broadcast %eq3A_211 : i32 to vector<48x128xi32>
    %eq3A_213 = arith.cmpi eq, %select_n3A_59, %eq3A_212 : vector<48x128xi32>
    %eq3A_214 = arith.constant 4 : i32
    %eq3A_215 = vector.broadcast %eq3A_214 : i32 to vector<48x128xi32>
    %eq3A_216 = arith.cmpi eq, %sub3A_63, %eq3A_215 : vector<48x128xi32>
    %jit3A_217 = arith.constant 0.000000e+00 : f32
    %broadcast_in_dim3A_218 = vector.broadcast %jit3A_217 : f32 to vector<48x128xf32>
    %select_n3A_219 = arith.select %eq3A_213, %reduce_sum3A_2, %broadcast_in_dim3A_218 : vector<48x128xi1>, vector<48x128xf32>
    %reduce_sum3A_220 = vector.shape_cast %select_n3A_219 : vector<48x128xf32> to vector<1x48x128xf32>
    %reduce_sum3A_221 = arith.constant dense<0.000000e+00> : vector<1xf32>
    %reduce_sum3A_222 = vector.multi_reduction <add>, %reduce_sum3A_220, %reduce_sum3A_221 [1, 2] : vector<1x48x128xf32> to vector<1xf32>
    %reduce_sum3A_223 = vector.shape_cast %reduce_sum3A_222 : vector<1xf32> to vector<1x1x1xf32>
    %reduce_sum3A_224 = vector.extract %reduce_sum3A_223[0, 0, 0] : f32 from vector<1x1x1xf32>
    %jit3A_225 = arith.constant 0.000000e+00 : f32
    %broadcast_in_dim3A_226 = vector.broadcast %jit3A_225 : f32 to vector<48x128xf32>
    %select_n3A_227 = arith.select %eq3A_216, %reduce_sum3A_2, %broadcast_in_dim3A_226 : vector<48x128xi1>, vector<48x128xf32>
    %reduce_sum3A_228 = vector.shape_cast %select_n3A_227 : vector<48x128xf32> to vector<1x48x128xf32>
    %reduce_sum3A_229 = arith.constant dense<0.000000e+00> : vector<1xf32>
    %reduce_sum3A_230 = vector.multi_reduction <add>, %reduce_sum3A_228, %reduce_sum3A_229 [1, 2] : vector<1x48x128xf32> to vector<1xf32>
    %reduce_sum3A_231 = vector.shape_cast %reduce_sum3A_230 : vector<1xf32> to vector<1x1x1xf32>
    %reduce_sum3A_232 = vector.extract %reduce_sum3A_231[0, 0, 0] : f32 from vector<1x1x1xf32>
    %and3A_233 = arith.andi %eq3A_213, %eq3A_216 : vector<48x128xi1>
    %jit3A_234 = arith.constant 0.000000e+00 : f32
    %broadcast_in_dim3A_235 = vector.broadcast %jit3A_234 : f32 to vector<48x128xf32>
    %select_n3A_236 = arith.select %and3A_233, %reduce_sum3A_2, %broadcast_in_dim3A_235 : vector<48x128xi1>, vector<48x128xf32>
    %reduce_sum3A_237 = vector.shape_cast %select_n3A_236 : vector<48x128xf32> to vector<1x48x128xf32>
    %reduce_sum3A_238 = arith.constant dense<0.000000e+00> : vector<1xf32>
    %reduce_sum3A_239 = vector.multi_reduction <add>, %reduce_sum3A_237, %reduce_sum3A_238 [1, 2] : vector<1x48x128xf32> to vector<1xf32>
    %reduce_sum3A_240 = vector.shape_cast %reduce_sum3A_239 : vector<1xf32> to vector<1x1x1xf32>
    %reduce_sum3A_241 = vector.extract %reduce_sum3A_240[0, 0, 0] : f32 from vector<1x1x1xf32>
    %add3A_242 = arith.addf %reduce_sum3A_224, %reduce_sum3A_232 : f32
    %sub3A_243 = arith.subf %add3A_242, %reduce_sum3A_241 : f32
    %add3A_244 = arith.constant 1.000000e-15 : f32
    %add3A_245 = arith.addf %sub3A_243, %add3A_244 : f32
    %div3A_246 = arith.divf %reduce_sum3A_241, %add3A_245 : f32
    %add3A_247 = arith.addf %add3A_210, %div3A_246 : f32
    %eq3A_248 = arith.constant 5 : i32
    %eq3A_249 = vector.broadcast %eq3A_248 : i32 to vector<48x128xi32>
    %eq3A_250 = arith.cmpi eq, %select_n3A_59, %eq3A_249 : vector<48x128xi32>
    %eq3A_251 = arith.constant 5 : i32
    %eq3A_252 = vector.broadcast %eq3A_251 : i32 to vector<48x128xi32>
    %eq3A_253 = arith.cmpi eq, %sub3A_63, %eq3A_252 : vector<48x128xi32>
    %jit3A_254 = arith.constant 0.000000e+00 : f32
    %broadcast_in_dim3A_255 = vector.broadcast %jit3A_254 : f32 to vector<48x128xf32>
    %select_n3A_256 = arith.select %eq3A_250, %reduce_sum3A_2, %broadcast_in_dim3A_255 : vector<48x128xi1>, vector<48x128xf32>
    %reduce_sum3A_257 = vector.shape_cast %select_n3A_256 : vector<48x128xf32> to vector<1x48x128xf32>
    %reduce_sum3A_258 = arith.constant dense<0.000000e+00> : vector<1xf32>
    %reduce_sum3A_259 = vector.multi_reduction <add>, %reduce_sum3A_257, %reduce_sum3A_258 [1, 2] : vector<1x48x128xf32> to vector<1xf32>
    %reduce_sum3A_260 = vector.shape_cast %reduce_sum3A_259 : vector<1xf32> to vector<1x1x1xf32>
    %reduce_sum3A_261 = vector.extract %reduce_sum3A_260[0, 0, 0] : f32 from vector<1x1x1xf32>
    %jit3A_262 = arith.constant 0.000000e+00 : f32
    %broadcast_in_dim3A_263 = vector.broadcast %jit3A_262 : f32 to vector<48x128xf32>
    %select_n3A_264 = arith.select %eq3A_253, %reduce_sum3A_2, %broadcast_in_dim3A_263 : vector<48x128xi1>, vector<48x128xf32>
    %reduce_sum3A_265 = vector.shape_cast %select_n3A_264 : vector<48x128xf32> to vector<1x48x128xf32>
    %reduce_sum3A_266 = arith.constant dense<0.000000e+00> : vector<1xf32>
    %reduce_sum3A_267 = vector.multi_reduction <add>, %reduce_sum3A_265, %reduce_sum3A_266 [1, 2] : vector<1x48x128xf32> to vector<1xf32>
    %reduce_sum3A_268 = vector.shape_cast %reduce_sum3A_267 : vector<1xf32> to vector<1x1x1xf32>
    %reduce_sum3A_269 = vector.extract %reduce_sum3A_268[0, 0, 0] : f32 from vector<1x1x1xf32>
    %and3A_270 = arith.andi %eq3A_250, %eq3A_253 : vector<48x128xi1>
    %jit3A_271 = arith.constant 0.000000e+00 : f32
    %broadcast_in_dim3A_272 = vector.broadcast %jit3A_271 : f32 to vector<48x128xf32>
    %select_n3A_273 = arith.select %and3A_270, %reduce_sum3A_2, %broadcast_in_dim3A_272 : vector<48x128xi1>, vector<48x128xf32>
    %reduce_sum3A_274 = vector.shape_cast %select_n3A_273 : vector<48x128xf32> to vector<1x48x128xf32>
    %reduce_sum3A_275 = arith.constant dense<0.000000e+00> : vector<1xf32>
    %reduce_sum3A_276 = vector.multi_reduction <add>, %reduce_sum3A_274, %reduce_sum3A_275 [1, 2] : vector<1x48x128xf32> to vector<1xf32>
    %reduce_sum3A_277 = vector.shape_cast %reduce_sum3A_276 : vector<1xf32> to vector<1x1x1xf32>
    %reduce_sum3A_278 = vector.extract %reduce_sum3A_277[0, 0, 0] : f32 from vector<1x1x1xf32>
    %add3A_279 = arith.addf %reduce_sum3A_261, %reduce_sum3A_269 : f32
    %sub3A_280 = arith.subf %add3A_279, %reduce_sum3A_278 : f32
    %add3A_281 = arith.constant 1.000000e-15 : f32
    %add3A_282 = arith.addf %sub3A_280, %add3A_281 : f32
    %div3A_283 = arith.divf %reduce_sum3A_278, %add3A_282 : f32
    %add3A_284 = arith.addf %add3A_247, %div3A_283 : f32
    %eq3A_285 = arith.constant 6 : i32
    %eq3A_286 = vector.broadcast %eq3A_285 : i32 to vector<48x128xi32>
    %eq3A_287 = arith.cmpi eq, %select_n3A_59, %eq3A_286 : vector<48x128xi32>
    %eq3A_288 = arith.constant 6 : i32
    %eq3A_289 = vector.broadcast %eq3A_288 : i32 to vector<48x128xi32>
    %eq3A_290 = arith.cmpi eq, %sub3A_63, %eq3A_289 : vector<48x128xi32>
    %jit3A_291 = arith.constant 0.000000e+00 : f32
    %broadcast_in_dim3A_292 = vector.broadcast %jit3A_291 : f32 to vector<48x128xf32>
    %select_n3A_293 = arith.select %eq3A_287, %reduce_sum3A_2, %broadcast_in_dim3A_292 : vector<48x128xi1>, vector<48x128xf32>
    %reduce_sum3A_294 = vector.shape_cast %select_n3A_293 : vector<48x128xf32> to vector<1x48x128xf32>
    %reduce_sum3A_295 = arith.constant dense<0.000000e+00> : vector<1xf32>
    %reduce_sum3A_296 = vector.multi_reduction <add>, %reduce_sum3A_294, %reduce_sum3A_295 [1, 2] : vector<1x48x128xf32> to vector<1xf32>
    %reduce_sum3A_297 = vector.shape_cast %reduce_sum3A_296 : vector<1xf32> to vector<1x1x1xf32>
    %reduce_sum3A_298 = vector.extract %reduce_sum3A_297[0, 0, 0] : f32 from vector<1x1x1xf32>
    %jit3A_299 = arith.constant 0.000000e+00 : f32
    %broadcast_in_dim3A_300 = vector.broadcast %jit3A_299 : f32 to vector<48x128xf32>
    %select_n3A_301 = arith.select %eq3A_290, %reduce_sum3A_2, %broadcast_in_dim3A_300 : vector<48x128xi1>, vector<48x128xf32>
    %reduce_sum3A_302 = vector.shape_cast %select_n3A_301 : vector<48x128xf32> to vector<1x48x128xf32>
    %reduce_sum3A_303 = arith.constant dense<0.000000e+00> : vector<1xf32>
    %reduce_sum3A_304 = vector.multi_reduction <add>, %reduce_sum3A_302, %reduce_sum3A_303 [1, 2] : vector<1x48x128xf32> to vector<1xf32>
    %reduce_sum3A_305 = vector.shape_cast %reduce_sum3A_304 : vector<1xf32> to vector<1x1x1xf32>
    %reduce_sum3A_306 = vector.extract %reduce_sum3A_305[0, 0, 0] : f32 from vector<1x1x1xf32>
    %and3A_307 = arith.andi %eq3A_287, %eq3A_290 : vector<48x128xi1>
    %jit3A_308 = arith.constant 0.000000e+00 : f32
    %broadcast_in_dim3A_309 = vector.broadcast %jit3A_308 : f32 to vector<48x128xf32>
    %select_n3A_310 = arith.select %and3A_307, %reduce_sum3A_2, %broadcast_in_dim3A_309 : vector<48x128xi1>, vector<48x128xf32>
    %reduce_sum3A_311 = vector.shape_cast %select_n3A_310 : vector<48x128xf32> to vector<1x48x128xf32>
    %reduce_sum3A_312 = arith.constant dense<0.000000e+00> : vector<1xf32>
    %reduce_sum3A_313 = vector.multi_reduction <add>, %reduce_sum3A_311, %reduce_sum3A_312 [1, 2] : vector<1x48x128xf32> to vector<1xf32>
    %reduce_sum3A_314 = vector.shape_cast %reduce_sum3A_313 : vector<1xf32> to vector<1x1x1xf32>
    %reduce_sum3A_315 = vector.extract %reduce_sum3A_314[0, 0, 0] : f32 from vector<1x1x1xf32>
    %add3A_316 = arith.addf %reduce_sum3A_298, %reduce_sum3A_306 : f32
    %sub3A_317 = arith.subf %add3A_316, %reduce_sum3A_315 : f32
    %add3A_318 = arith.constant 1.000000e-15 : f32
    %add3A_319 = arith.addf %sub3A_317, %add3A_318 : f32
    %div3A_320 = arith.divf %reduce_sum3A_315, %add3A_319 : f32
    %add3A_321 = arith.addf %add3A_284, %div3A_320 : f32
    %eq3A_322 = arith.constant 7 : i32
    %eq3A_323 = vector.broadcast %eq3A_322 : i32 to vector<48x128xi32>
    %eq3A_324 = arith.cmpi eq, %select_n3A_59, %eq3A_323 : vector<48x128xi32>
    %eq3A_325 = arith.constant 7 : i32
    %eq3A_326 = vector.broadcast %eq3A_325 : i32 to vector<48x128xi32>
    %eq3A_327 = arith.cmpi eq, %sub3A_63, %eq3A_326 : vector<48x128xi32>
    %jit3A_328 = arith.constant 0.000000e+00 : f32
    %broadcast_in_dim3A_329 = vector.broadcast %jit3A_328 : f32 to vector<48x128xf32>
    %select_n3A_330 = arith.select %eq3A_324, %reduce_sum3A_2, %broadcast_in_dim3A_329 : vector<48x128xi1>, vector<48x128xf32>
    %reduce_sum3A_331 = vector.shape_cast %select_n3A_330 : vector<48x128xf32> to vector<1x48x128xf32>
    %reduce_sum3A_332 = arith.constant dense<0.000000e+00> : vector<1xf32>
    %reduce_sum3A_333 = vector.multi_reduction <add>, %reduce_sum3A_331, %reduce_sum3A_332 [1, 2] : vector<1x48x128xf32> to vector<1xf32>
    %reduce_sum3A_334 = vector.shape_cast %reduce_sum3A_333 : vector<1xf32> to vector<1x1x1xf32>
    %reduce_sum3A_335 = vector.extract %reduce_sum3A_334[0, 0, 0] : f32 from vector<1x1x1xf32>
    %jit3A_336 = arith.constant 0.000000e+00 : f32
    %broadcast_in_dim3A_337 = vector.broadcast %jit3A_336 : f32 to vector<48x128xf32>
    %select_n3A_338 = arith.select %eq3A_327, %reduce_sum3A_2, %broadcast_in_dim3A_337 : vector<48x128xi1>, vector<48x128xf32>
    %reduce_sum3A_339 = vector.shape_cast %select_n3A_338 : vector<48x128xf32> to vector<1x48x128xf32>
    %reduce_sum3A_340 = arith.constant dense<0.000000e+00> : vector<1xf32>
    %reduce_sum3A_341 = vector.multi_reduction <add>, %reduce_sum3A_339, %reduce_sum3A_340 [1, 2] : vector<1x48x128xf32> to vector<1xf32>
    %reduce_sum3A_342 = vector.shape_cast %reduce_sum3A_341 : vector<1xf32> to vector<1x1x1xf32>
    %reduce_sum3A_343 = vector.extract %reduce_sum3A_342[0, 0, 0] : f32 from vector<1x1x1xf32>
    %and3A_344 = arith.andi %eq3A_324, %eq3A_327 : vector<48x128xi1>
    %jit3A_345 = arith.constant 0.000000e+00 : f32
    %broadcast_in_dim3A_346 = vector.broadcast %jit3A_345 : f32 to vector<48x128xf32>
    %select_n3A_347 = arith.select %and3A_344, %reduce_sum3A_2, %broadcast_in_dim3A_346 : vector<48x128xi1>, vector<48x128xf32>
    %reduce_sum3A_348 = vector.shape_cast %select_n3A_347 : vector<48x128xf32> to vector<1x48x128xf32>
    %reduce_sum3A_349 = arith.constant dense<0.000000e+00> : vector<1xf32>
    %reduce_sum3A_350 = vector.multi_reduction <add>, %reduce_sum3A_348, %reduce_sum3A_349 [1, 2] : vector<1x48x128xf32> to vector<1xf32>
    %reduce_sum3A_351 = vector.shape_cast %reduce_sum3A_350 : vector<1xf32> to vector<1x1x1xf32>
    %reduce_sum3A_352 = vector.extract %reduce_sum3A_351[0, 0, 0] : f32 from vector<1x1x1xf32>
    %add3A_353 = arith.addf %reduce_sum3A_335, %reduce_sum3A_343 : f32
    %sub3A_354 = arith.subf %add3A_353, %reduce_sum3A_352 : f32
    %add3A_355 = arith.constant 1.000000e-15 : f32
    %add3A_356 = arith.addf %sub3A_354, %add3A_355 : f32
    %div3A_357 = arith.divf %reduce_sum3A_352, %add3A_356 : f32
    %add3A_358 = arith.addf %add3A_321, %div3A_357 : f32
    %eq3A_359 = arith.constant 8 : i32
    %eq3A_360 = vector.broadcast %eq3A_359 : i32 to vector<48x128xi32>
    %eq3A_361 = arith.cmpi eq, %select_n3A_59, %eq3A_360 : vector<48x128xi32>
    %eq3A_362 = arith.constant 8 : i32
    %eq3A_363 = vector.broadcast %eq3A_362 : i32 to vector<48x128xi32>
    %eq3A_364 = arith.cmpi eq, %sub3A_63, %eq3A_363 : vector<48x128xi32>
    %jit3A_365 = arith.constant 0.000000e+00 : f32
    %broadcast_in_dim3A_366 = vector.broadcast %jit3A_365 : f32 to vector<48x128xf32>
    %select_n3A_367 = arith.select %eq3A_361, %reduce_sum3A_2, %broadcast_in_dim3A_366 : vector<48x128xi1>, vector<48x128xf32>
    %reduce_sum3A_368 = vector.shape_cast %select_n3A_367 : vector<48x128xf32> to vector<1x48x128xf32>
    %reduce_sum3A_369 = arith.constant dense<0.000000e+00> : vector<1xf32>
    %reduce_sum3A_370 = vector.multi_reduction <add>, %reduce_sum3A_368, %reduce_sum3A_369 [1, 2] : vector<1x48x128xf32> to vector<1xf32>
    %reduce_sum3A_371 = vector.shape_cast %reduce_sum3A_370 : vector<1xf32> to vector<1x1x1xf32>
    %reduce_sum3A_372 = vector.extract %reduce_sum3A_371[0, 0, 0] : f32 from vector<1x1x1xf32>
    %jit3A_373 = arith.constant 0.000000e+00 : f32
    %broadcast_in_dim3A_374 = vector.broadcast %jit3A_373 : f32 to vector<48x128xf32>
    %select_n3A_375 = arith.select %eq3A_364, %reduce_sum3A_2, %broadcast_in_dim3A_374 : vector<48x128xi1>, vector<48x128xf32>
    %reduce_sum3A_376 = vector.shape_cast %select_n3A_375 : vector<48x128xf32> to vector<1x48x128xf32>
    %reduce_sum3A_377 = arith.constant dense<0.000000e+00> : vector<1xf32>
    %reduce_sum3A_378 = vector.multi_reduction <add>, %reduce_sum3A_376, %reduce_sum3A_377 [1, 2] : vector<1x48x128xf32> to vector<1xf32>
    %reduce_sum3A_379 = vector.shape_cast %reduce_sum3A_378 : vector<1xf32> to vector<1x1x1xf32>
    %reduce_sum3A_380 = vector.extract %reduce_sum3A_379[0, 0, 0] : f32 from vector<1x1x1xf32>
    %and3A_381 = arith.andi %eq3A_361, %eq3A_364 : vector<48x128xi1>
    %jit3A_382 = arith.constant 0.000000e+00 : f32
    %broadcast_in_dim3A_383 = vector.broadcast %jit3A_382 : f32 to vector<48x128xf32>
    %select_n3A_384 = arith.select %and3A_381, %reduce_sum3A_2, %broadcast_in_dim3A_383 : vector<48x128xi1>, vector<48x128xf32>
    %reduce_sum3A_385 = vector.shape_cast %select_n3A_384 : vector<48x128xf32> to vector<1x48x128xf32>
    %reduce_sum3A_386 = arith.constant dense<0.000000e+00> : vector<1xf32>
    %reduce_sum3A_387 = vector.multi_reduction <add>, %reduce_sum3A_385, %reduce_sum3A_386 [1, 2] : vector<1x48x128xf32> to vector<1xf32>
    %reduce_sum3A_388 = vector.shape_cast %reduce_sum3A_387 : vector<1xf32> to vector<1x1x1xf32>
    %reduce_sum3A_389 = vector.extract %reduce_sum3A_388[0, 0, 0] : f32 from vector<1x1x1xf32>
    %add3A_390 = arith.addf %reduce_sum3A_372, %reduce_sum3A_380 : f32
    %sub3A_391 = arith.subf %add3A_390, %reduce_sum3A_389 : f32
    %add3A_392 = arith.constant 1.000000e-15 : f32
    %add3A_393 = arith.addf %sub3A_391, %add3A_392 : f32
    %div3A_394 = arith.divf %reduce_sum3A_389, %add3A_393 : f32
    %add3A_395 = arith.addf %add3A_358, %div3A_394 : f32
    %eq3A_396 = arith.constant 9 : i32
    %eq3A_397 = vector.broadcast %eq3A_396 : i32 to vector<48x128xi32>
    %eq3A_398 = arith.cmpi eq, %select_n3A_59, %eq3A_397 : vector<48x128xi32>
    %eq3A_399 = arith.constant 9 : i32
    %eq3A_400 = vector.broadcast %eq3A_399 : i32 to vector<48x128xi32>
    %eq3A_401 = arith.cmpi eq, %sub3A_63, %eq3A_400 : vector<48x128xi32>
    %jit3A_402 = arith.constant 0.000000e+00 : f32
    %broadcast_in_dim3A_403 = vector.broadcast %jit3A_402 : f32 to vector<48x128xf32>
    %select_n3A_404 = arith.select %eq3A_398, %reduce_sum3A_2, %broadcast_in_dim3A_403 : vector<48x128xi1>, vector<48x128xf32>
    %reduce_sum3A_405 = vector.shape_cast %select_n3A_404 : vector<48x128xf32> to vector<1x48x128xf32>
    %reduce_sum3A_406 = arith.constant dense<0.000000e+00> : vector<1xf32>
    %reduce_sum3A_407 = vector.multi_reduction <add>, %reduce_sum3A_405, %reduce_sum3A_406 [1, 2] : vector<1x48x128xf32> to vector<1xf32>
    %reduce_sum3A_408 = vector.shape_cast %reduce_sum3A_407 : vector<1xf32> to vector<1x1x1xf32>
    %reduce_sum3A_409 = vector.extract %reduce_sum3A_408[0, 0, 0] : f32 from vector<1x1x1xf32>
    %jit3A_410 = arith.constant 0.000000e+00 : f32
    %broadcast_in_dim3A_411 = vector.broadcast %jit3A_410 : f32 to vector<48x128xf32>
    %select_n3A_412 = arith.select %eq3A_401, %reduce_sum3A_2, %broadcast_in_dim3A_411 : vector<48x128xi1>, vector<48x128xf32>
    %reduce_sum3A_413 = vector.shape_cast %select_n3A_412 : vector<48x128xf32> to vector<1x48x128xf32>
    %reduce_sum3A_414 = arith.constant dense<0.000000e+00> : vector<1xf32>
    %reduce_sum3A_415 = vector.multi_reduction <add>, %reduce_sum3A_413, %reduce_sum3A_414 [1, 2] : vector<1x48x128xf32> to vector<1xf32>
    %reduce_sum3A_416 = vector.shape_cast %reduce_sum3A_415 : vector<1xf32> to vector<1x1x1xf32>
    %reduce_sum3A_417 = vector.extract %reduce_sum3A_416[0, 0, 0] : f32 from vector<1x1x1xf32>
    %and3A_418 = arith.andi %eq3A_398, %eq3A_401 : vector<48x128xi1>
    %jit3A_419 = arith.constant 0.000000e+00 : f32
    %broadcast_in_dim3A_420 = vector.broadcast %jit3A_419 : f32 to vector<48x128xf32>
    %select_n3A_421 = arith.select %and3A_418, %reduce_sum3A_2, %broadcast_in_dim3A_420 : vector<48x128xi1>, vector<48x128xf32>
    %reduce_sum3A_422 = vector.shape_cast %select_n3A_421 : vector<48x128xf32> to vector<1x48x128xf32>
    %reduce_sum3A_423 = arith.constant dense<0.000000e+00> : vector<1xf32>
    %reduce_sum3A_424 = vector.multi_reduction <add>, %reduce_sum3A_422, %reduce_sum3A_423 [1, 2] : vector<1x48x128xf32> to vector<1xf32>
    %reduce_sum3A_425 = vector.shape_cast %reduce_sum3A_424 : vector<1xf32> to vector<1x1x1xf32>
    %reduce_sum3A_426 = vector.extract %reduce_sum3A_425[0, 0, 0] : f32 from vector<1x1x1xf32>
    %add3A_427 = arith.addf %reduce_sum3A_409, %reduce_sum3A_417 : f32
    %sub3A_428 = arith.subf %add3A_427, %reduce_sum3A_426 : f32
    %add3A_429 = arith.constant 1.000000e-15 : f32
    %add3A_430 = arith.addf %sub3A_428, %add3A_429 : f32
    %div3A_431 = arith.divf %reduce_sum3A_426, %add3A_430 : f32
    %add3A_432 = arith.addf %add3A_395, %div3A_431 : f32
    %eq3A_433 = arith.constant 10 : i32
    %eq3A_434 = vector.broadcast %eq3A_433 : i32 to vector<48x128xi32>
    %eq3A_435 = arith.cmpi eq, %select_n3A_59, %eq3A_434 : vector<48x128xi32>
    %eq3A_436 = arith.constant 10 : i32
    %eq3A_437 = vector.broadcast %eq3A_436 : i32 to vector<48x128xi32>
    %eq3A_438 = arith.cmpi eq, %sub3A_63, %eq3A_437 : vector<48x128xi32>
    %jit3A_439 = arith.constant 0.000000e+00 : f32
    %broadcast_in_dim3A_440 = vector.broadcast %jit3A_439 : f32 to vector<48x128xf32>
    %select_n3A_441 = arith.select %eq3A_435, %reduce_sum3A_2, %broadcast_in_dim3A_440 : vector<48x128xi1>, vector<48x128xf32>
    %reduce_sum3A_442 = vector.shape_cast %select_n3A_441 : vector<48x128xf32> to vector<1x48x128xf32>
    %reduce_sum3A_443 = arith.constant dense<0.000000e+00> : vector<1xf32>
    %reduce_sum3A_444 = vector.multi_reduction <add>, %reduce_sum3A_442, %reduce_sum3A_443 [1, 2] : vector<1x48x128xf32> to vector<1xf32>
    %reduce_sum3A_445 = vector.shape_cast %reduce_sum3A_444 : vector<1xf32> to vector<1x1x1xf32>
    %reduce_sum3A_446 = vector.extract %reduce_sum3A_445[0, 0, 0] : f32 from vector<1x1x1xf32>
    %jit3A_447 = arith.constant 0.000000e+00 : f32
    %broadcast_in_dim3A_448 = vector.broadcast %jit3A_447 : f32 to vector<48x128xf32>
    %select_n3A_449 = arith.select %eq3A_438, %reduce_sum3A_2, %broadcast_in_dim3A_448 : vector<48x128xi1>, vector<48x128xf32>
    %reduce_sum3A_450 = vector.shape_cast %select_n3A_449 : vector<48x128xf32> to vector<1x48x128xf32>
    %reduce_sum3A_451 = arith.constant dense<0.000000e+00> : vector<1xf32>
    %reduce_sum3A_452 = vector.multi_reduction <add>, %reduce_sum3A_450, %reduce_sum3A_451 [1, 2] : vector<1x48x128xf32> to vector<1xf32>
    %reduce_sum3A_453 = vector.shape_cast %reduce_sum3A_452 : vector<1xf32> to vector<1x1x1xf32>
    %reduce_sum3A_454 = vector.extract %reduce_sum3A_453[0, 0, 0] : f32 from vector<1x1x1xf32>
    %and3A_455 = arith.andi %eq3A_435, %eq3A_438 : vector<48x128xi1>
    %jit3A_456 = arith.constant 0.000000e+00 : f32
    %broadcast_in_dim3A_457 = vector.broadcast %jit3A_456 : f32 to vector<48x128xf32>
    %select_n3A_458 = arith.select %and3A_455, %reduce_sum3A_2, %broadcast_in_dim3A_457 : vector<48x128xi1>, vector<48x128xf32>
    %reduce_sum3A_459 = vector.shape_cast %select_n3A_458 : vector<48x128xf32> to vector<1x48x128xf32>
    %reduce_sum3A_460 = arith.constant dense<0.000000e+00> : vector<1xf32>
    %reduce_sum3A_461 = vector.multi_reduction <add>, %reduce_sum3A_459, %reduce_sum3A_460 [1, 2] : vector<1x48x128xf32> to vector<1xf32>
    %reduce_sum3A_462 = vector.shape_cast %reduce_sum3A_461 : vector<1xf32> to vector<1x1x1xf32>
    %reduce_sum3A_463 = vector.extract %reduce_sum3A_462[0, 0, 0] : f32 from vector<1x1x1xf32>
    %add3A_464 = arith.addf %reduce_sum3A_446, %reduce_sum3A_454 : f32
    %sub3A_465 = arith.subf %add3A_464, %reduce_sum3A_463 : f32
    %add3A_466 = arith.constant 1.000000e-15 : f32
    %add3A_467 = arith.addf %sub3A_465, %add3A_466 : f32
    %div3A_468 = arith.divf %reduce_sum3A_463, %add3A_467 : f32
    %add3A_469 = arith.addf %add3A_432, %div3A_468 : f32
    %eq3A_470 = arith.constant 11 : i32
    %eq3A_471 = vector.broadcast %eq3A_470 : i32 to vector<48x128xi32>
    %eq3A_472 = arith.cmpi eq, %select_n3A_59, %eq3A_471 : vector<48x128xi32>
    %eq3A_473 = arith.constant 11 : i32
    %eq3A_474 = vector.broadcast %eq3A_473 : i32 to vector<48x128xi32>
    %eq3A_475 = arith.cmpi eq, %sub3A_63, %eq3A_474 : vector<48x128xi32>
    %jit3A_476 = arith.constant 0.000000e+00 : f32
    %broadcast_in_dim3A_477 = vector.broadcast %jit3A_476 : f32 to vector<48x128xf32>
    %select_n3A_478 = arith.select %eq3A_472, %reduce_sum3A_2, %broadcast_in_dim3A_477 : vector<48x128xi1>, vector<48x128xf32>
    %reduce_sum3A_479 = vector.shape_cast %select_n3A_478 : vector<48x128xf32> to vector<1x48x128xf32>
    %reduce_sum3A_480 = arith.constant dense<0.000000e+00> : vector<1xf32>
    %reduce_sum3A_481 = vector.multi_reduction <add>, %reduce_sum3A_479, %reduce_sum3A_480 [1, 2] : vector<1x48x128xf32> to vector<1xf32>
    %reduce_sum3A_482 = vector.shape_cast %reduce_sum3A_481 : vector<1xf32> to vector<1x1x1xf32>
    %reduce_sum3A_483 = vector.extract %reduce_sum3A_482[0, 0, 0] : f32 from vector<1x1x1xf32>
    %jit3A_484 = arith.constant 0.000000e+00 : f32
    %broadcast_in_dim3A_485 = vector.broadcast %jit3A_484 : f32 to vector<48x128xf32>
    %select_n3A_486 = arith.select %eq3A_475, %reduce_sum3A_2, %broadcast_in_dim3A_485 : vector<48x128xi1>, vector<48x128xf32>
    %reduce_sum3A_487 = vector.shape_cast %select_n3A_486 : vector<48x128xf32> to vector<1x48x128xf32>
    %reduce_sum3A_488 = arith.constant dense<0.000000e+00> : vector<1xf32>
    %reduce_sum3A_489 = vector.multi_reduction <add>, %reduce_sum3A_487, %reduce_sum3A_488 [1, 2] : vector<1x48x128xf32> to vector<1xf32>
    %reduce_sum3A_490 = vector.shape_cast %reduce_sum3A_489 : vector<1xf32> to vector<1x1x1xf32>
    %reduce_sum3A_491 = vector.extract %reduce_sum3A_490[0, 0, 0] : f32 from vector<1x1x1xf32>
    %and3A_492 = arith.andi %eq3A_472, %eq3A_475 : vector<48x128xi1>
    %jit3A_493 = arith.constant 0.000000e+00 : f32
    %broadcast_in_dim3A_494 = vector.broadcast %jit3A_493 : f32 to vector<48x128xf32>
    %select_n3A_495 = arith.select %and3A_492, %reduce_sum3A_2, %broadcast_in_dim3A_494 : vector<48x128xi1>, vector<48x128xf32>
    %reduce_sum3A_496 = vector.shape_cast %select_n3A_495 : vector<48x128xf32> to vector<1x48x128xf32>
    %reduce_sum3A_497 = arith.constant dense<0.000000e+00> : vector<1xf32>
    %reduce_sum3A_498 = vector.multi_reduction <add>, %reduce_sum3A_496, %reduce_sum3A_497 [1, 2] : vector<1x48x128xf32> to vector<1xf32>
    %reduce_sum3A_499 = vector.shape_cast %reduce_sum3A_498 : vector<1xf32> to vector<1x1x1xf32>
    %reduce_sum3A_500 = vector.extract %reduce_sum3A_499[0, 0, 0] : f32 from vector<1x1x1xf32>
    %add3A_501 = arith.addf %reduce_sum3A_483, %reduce_sum3A_491 : f32
    %sub3A_502 = arith.subf %add3A_501, %reduce_sum3A_500 : f32
    %add3A_503 = arith.constant 1.000000e-15 : f32
    %add3A_504 = arith.addf %sub3A_502, %add3A_503 : f32
    %div3A_505 = arith.divf %reduce_sum3A_500, %add3A_504 : f32
    %add3A_506 = arith.addf %add3A_469, %div3A_505 : f32
    %eq3A_507 = arith.constant 12 : i32
    %eq3A_508 = vector.broadcast %eq3A_507 : i32 to vector<48x128xi32>
    %eq3A_509 = arith.cmpi eq, %select_n3A_59, %eq3A_508 : vector<48x128xi32>
    %eq3A_510 = arith.constant 12 : i32
    %eq3A_511 = vector.broadcast %eq3A_510 : i32 to vector<48x128xi32>
    %eq3A_512 = arith.cmpi eq, %sub3A_63, %eq3A_511 : vector<48x128xi32>
    %jit3A_513 = arith.constant 0.000000e+00 : f32
    %broadcast_in_dim3A_514 = vector.broadcast %jit3A_513 : f32 to vector<48x128xf32>
    %select_n3A_515 = arith.select %eq3A_509, %reduce_sum3A_2, %broadcast_in_dim3A_514 : vector<48x128xi1>, vector<48x128xf32>
    %reduce_sum3A_516 = vector.shape_cast %select_n3A_515 : vector<48x128xf32> to vector<1x48x128xf32>
    %reduce_sum3A_517 = arith.constant dense<0.000000e+00> : vector<1xf32>
    %reduce_sum3A_518 = vector.multi_reduction <add>, %reduce_sum3A_516, %reduce_sum3A_517 [1, 2] : vector<1x48x128xf32> to vector<1xf32>
    %reduce_sum3A_519 = vector.shape_cast %reduce_sum3A_518 : vector<1xf32> to vector<1x1x1xf32>
    %reduce_sum3A_520 = vector.extract %reduce_sum3A_519[0, 0, 0] : f32 from vector<1x1x1xf32>
    %jit3A_521 = arith.constant 0.000000e+00 : f32
    %broadcast_in_dim3A_522 = vector.broadcast %jit3A_521 : f32 to vector<48x128xf32>
    %select_n3A_523 = arith.select %eq3A_512, %reduce_sum3A_2, %broadcast_in_dim3A_522 : vector<48x128xi1>, vector<48x128xf32>
    %reduce_sum3A_524 = vector.shape_cast %select_n3A_523 : vector<48x128xf32> to vector<1x48x128xf32>
    %reduce_sum3A_525 = arith.constant dense<0.000000e+00> : vector<1xf32>
    %reduce_sum3A_526 = vector.multi_reduction <add>, %reduce_sum3A_524, %reduce_sum3A_525 [1, 2] : vector<1x48x128xf32> to vector<1xf32>
    %reduce_sum3A_527 = vector.shape_cast %reduce_sum3A_526 : vector<1xf32> to vector<1x1x1xf32>
    %reduce_sum3A_528 = vector.extract %reduce_sum3A_527[0, 0, 0] : f32 from vector<1x1x1xf32>
    %and3A_529 = arith.andi %eq3A_509, %eq3A_512 : vector<48x128xi1>
    %jit3A_530 = arith.constant 0.000000e+00 : f32
    %broadcast_in_dim3A_531 = vector.broadcast %jit3A_530 : f32 to vector<48x128xf32>
    %select_n3A_532 = arith.select %and3A_529, %reduce_sum3A_2, %broadcast_in_dim3A_531 : vector<48x128xi1>, vector<48x128xf32>
    %reduce_sum3A_533 = vector.shape_cast %select_n3A_532 : vector<48x128xf32> to vector<1x48x128xf32>
    %reduce_sum3A_534 = arith.constant dense<0.000000e+00> : vector<1xf32>
    %reduce_sum3A_535 = vector.multi_reduction <add>, %reduce_sum3A_533, %reduce_sum3A_534 [1, 2] : vector<1x48x128xf32> to vector<1xf32>
    %reduce_sum3A_536 = vector.shape_cast %reduce_sum3A_535 : vector<1xf32> to vector<1x1x1xf32>
    %reduce_sum3A_537 = vector.extract %reduce_sum3A_536[0, 0, 0] : f32 from vector<1x1x1xf32>
    %add3A_538 = arith.addf %reduce_sum3A_520, %reduce_sum3A_528 : f32
    %sub3A_539 = arith.subf %add3A_538, %reduce_sum3A_537 : f32
    %add3A_540 = arith.constant 1.000000e-15 : f32
    %add3A_541 = arith.addf %sub3A_539, %add3A_540 : f32
    %div3A_542 = arith.divf %reduce_sum3A_537, %add3A_541 : f32
    %add3A_543 = arith.addf %add3A_506, %div3A_542 : f32
    %eq3A_544 = arith.constant 13 : i32
    %eq3A_545 = vector.broadcast %eq3A_544 : i32 to vector<48x128xi32>
    %eq3A_546 = arith.cmpi eq, %select_n3A_59, %eq3A_545 : vector<48x128xi32>
    %eq3A_547 = arith.constant 13 : i32
    %eq3A_548 = vector.broadcast %eq3A_547 : i32 to vector<48x128xi32>
    %eq3A_549 = arith.cmpi eq, %sub3A_63, %eq3A_548 : vector<48x128xi32>
    %jit3A_550 = arith.constant 0.000000e+00 : f32
    %broadcast_in_dim3A_551 = vector.broadcast %jit3A_550 : f32 to vector<48x128xf32>
    %select_n3A_552 = arith.select %eq3A_546, %reduce_sum3A_2, %broadcast_in_dim3A_551 : vector<48x128xi1>, vector<48x128xf32>
    %reduce_sum3A_553 = vector.shape_cast %select_n3A_552 : vector<48x128xf32> to vector<1x48x128xf32>
    %reduce_sum3A_554 = arith.constant dense<0.000000e+00> : vector<1xf32>
    %reduce_sum3A_555 = vector.multi_reduction <add>, %reduce_sum3A_553, %reduce_sum3A_554 [1, 2] : vector<1x48x128xf32> to vector<1xf32>
    %reduce_sum3A_556 = vector.shape_cast %reduce_sum3A_555 : vector<1xf32> to vector<1x1x1xf32>
    %reduce_sum3A_557 = vector.extract %reduce_sum3A_556[0, 0, 0] : f32 from vector<1x1x1xf32>
    %jit3A_558 = arith.constant 0.000000e+00 : f32
    %broadcast_in_dim3A_559 = vector.broadcast %jit3A_558 : f32 to vector<48x128xf32>
    %select_n3A_560 = arith.select %eq3A_549, %reduce_sum3A_2, %broadcast_in_dim3A_559 : vector<48x128xi1>, vector<48x128xf32>
    %reduce_sum3A_561 = vector.shape_cast %select_n3A_560 : vector<48x128xf32> to vector<1x48x128xf32>
    %reduce_sum3A_562 = arith.constant dense<0.000000e+00> : vector<1xf32>
    %reduce_sum3A_563 = vector.multi_reduction <add>, %reduce_sum3A_561, %reduce_sum3A_562 [1, 2] : vector<1x48x128xf32> to vector<1xf32>
    %reduce_sum3A_564 = vector.shape_cast %reduce_sum3A_563 : vector<1xf32> to vector<1x1x1xf32>
    %reduce_sum3A_565 = vector.extract %reduce_sum3A_564[0, 0, 0] : f32 from vector<1x1x1xf32>
    %and3A_566 = arith.andi %eq3A_546, %eq3A_549 : vector<48x128xi1>
    %jit3A_567 = arith.constant 0.000000e+00 : f32
    %broadcast_in_dim3A_568 = vector.broadcast %jit3A_567 : f32 to vector<48x128xf32>
    %select_n3A_569 = arith.select %and3A_566, %reduce_sum3A_2, %broadcast_in_dim3A_568 : vector<48x128xi1>, vector<48x128xf32>
    %reduce_sum3A_570 = vector.shape_cast %select_n3A_569 : vector<48x128xf32> to vector<1x48x128xf32>
    %reduce_sum3A_571 = arith.constant dense<0.000000e+00> : vector<1xf32>
    %reduce_sum3A_572 = vector.multi_reduction <add>, %reduce_sum3A_570, %reduce_sum3A_571 [1, 2] : vector<1x48x128xf32> to vector<1xf32>
    %reduce_sum3A_573 = vector.shape_cast %reduce_sum3A_572 : vector<1xf32> to vector<1x1x1xf32>
    %reduce_sum3A_574 = vector.extract %reduce_sum3A_573[0, 0, 0] : f32 from vector<1x1x1xf32>
    %add3A_575 = arith.addf %reduce_sum3A_557, %reduce_sum3A_565 : f32
    %sub3A_576 = arith.subf %add3A_575, %reduce_sum3A_574 : f32
    %add3A_577 = arith.constant 1.000000e-15 : f32
    %add3A_578 = arith.addf %sub3A_576, %add3A_577 : f32
    %div3A_579 = arith.divf %reduce_sum3A_574, %add3A_578 : f32
    %add3A_580 = arith.addf %add3A_543, %div3A_579 : f32
    %eq3A_581 = arith.constant 14 : i32
    %eq3A_582 = vector.broadcast %eq3A_581 : i32 to vector<48x128xi32>
    %eq3A_583 = arith.cmpi eq, %select_n3A_59, %eq3A_582 : vector<48x128xi32>
    %eq3A_584 = arith.constant 14 : i32
    %eq3A_585 = vector.broadcast %eq3A_584 : i32 to vector<48x128xi32>
    %eq3A_586 = arith.cmpi eq, %sub3A_63, %eq3A_585 : vector<48x128xi32>
    %jit3A_587 = arith.constant 0.000000e+00 : f32
    %broadcast_in_dim3A_588 = vector.broadcast %jit3A_587 : f32 to vector<48x128xf32>
    %select_n3A_589 = arith.select %eq3A_583, %reduce_sum3A_2, %broadcast_in_dim3A_588 : vector<48x128xi1>, vector<48x128xf32>
    %reduce_sum3A_590 = vector.shape_cast %select_n3A_589 : vector<48x128xf32> to vector<1x48x128xf32>
    %reduce_sum3A_591 = arith.constant dense<0.000000e+00> : vector<1xf32>
    %reduce_sum3A_592 = vector.multi_reduction <add>, %reduce_sum3A_590, %reduce_sum3A_591 [1, 2] : vector<1x48x128xf32> to vector<1xf32>
    %reduce_sum3A_593 = vector.shape_cast %reduce_sum3A_592 : vector<1xf32> to vector<1x1x1xf32>
    %reduce_sum3A_594 = vector.extract %reduce_sum3A_593[0, 0, 0] : f32 from vector<1x1x1xf32>
    %jit3A_595 = arith.constant 0.000000e+00 : f32
    %broadcast_in_dim3A_596 = vector.broadcast %jit3A_595 : f32 to vector<48x128xf32>
    %select_n3A_597 = arith.select %eq3A_586, %reduce_sum3A_2, %broadcast_in_dim3A_596 : vector<48x128xi1>, vector<48x128xf32>
    %reduce_sum3A_598 = vector.shape_cast %select_n3A_597 : vector<48x128xf32> to vector<1x48x128xf32>
    %reduce_sum3A_599 = arith.constant dense<0.000000e+00> : vector<1xf32>
    %reduce_sum3A_600 = vector.multi_reduction <add>, %reduce_sum3A_598, %reduce_sum3A_599 [1, 2] : vector<1x48x128xf32> to vector<1xf32>
    %reduce_sum3A_601 = vector.shape_cast %reduce_sum3A_600 : vector<1xf32> to vector<1x1x1xf32>
    %reduce_sum3A_602 = vector.extract %reduce_sum3A_601[0, 0, 0] : f32 from vector<1x1x1xf32>
    %and3A_603 = arith.andi %eq3A_583, %eq3A_586 : vector<48x128xi1>
    %jit3A_604 = arith.constant 0.000000e+00 : f32
    %broadcast_in_dim3A_605 = vector.broadcast %jit3A_604 : f32 to vector<48x128xf32>
    %select_n3A_606 = arith.select %and3A_603, %reduce_sum3A_2, %broadcast_in_dim3A_605 : vector<48x128xi1>, vector<48x128xf32>
    %reduce_sum3A_607 = vector.shape_cast %select_n3A_606 : vector<48x128xf32> to vector<1x48x128xf32>
    %reduce_sum3A_608 = arith.constant dense<0.000000e+00> : vector<1xf32>
    %reduce_sum3A_609 = vector.multi_reduction <add>, %reduce_sum3A_607, %reduce_sum3A_608 [1, 2] : vector<1x48x128xf32> to vector<1xf32>
    %reduce_sum3A_610 = vector.shape_cast %reduce_sum3A_609 : vector<1xf32> to vector<1x1x1xf32>
    %reduce_sum3A_611 = vector.extract %reduce_sum3A_610[0, 0, 0] : f32 from vector<1x1x1xf32>
    %add3A_612 = arith.addf %reduce_sum3A_594, %reduce_sum3A_602 : f32
    %sub3A_613 = arith.subf %add3A_612, %reduce_sum3A_611 : f32
    %add3A_614 = arith.constant 1.000000e-15 : f32
    %add3A_615 = arith.addf %sub3A_613, %add3A_614 : f32
    %div3A_616 = arith.divf %reduce_sum3A_611, %add3A_615 : f32
    %add3A_617 = arith.addf %add3A_580, %div3A_616 : f32
    %eq3A_618 = arith.constant 15 : i32
    %eq3A_619 = vector.broadcast %eq3A_618 : i32 to vector<48x128xi32>
    %eq3A_620 = arith.cmpi eq, %select_n3A_59, %eq3A_619 : vector<48x128xi32>
    %eq3A_621 = arith.constant 15 : i32
    %eq3A_622 = vector.broadcast %eq3A_621 : i32 to vector<48x128xi32>
    %eq3A_623 = arith.cmpi eq, %sub3A_63, %eq3A_622 : vector<48x128xi32>
    %jit3A_624 = arith.constant 0.000000e+00 : f32
    %broadcast_in_dim3A_625 = vector.broadcast %jit3A_624 : f32 to vector<48x128xf32>
    %select_n3A_626 = arith.select %eq3A_620, %reduce_sum3A_2, %broadcast_in_dim3A_625 : vector<48x128xi1>, vector<48x128xf32>
    %reduce_sum3A_627 = vector.shape_cast %select_n3A_626 : vector<48x128xf32> to vector<1x48x128xf32>
    %reduce_sum3A_628 = arith.constant dense<0.000000e+00> : vector<1xf32>
    %reduce_sum3A_629 = vector.multi_reduction <add>, %reduce_sum3A_627, %reduce_sum3A_628 [1, 2] : vector<1x48x128xf32> to vector<1xf32>
    %reduce_sum3A_630 = vector.shape_cast %reduce_sum3A_629 : vector<1xf32> to vector<1x1x1xf32>
    %reduce_sum3A_631 = vector.extract %reduce_sum3A_630[0, 0, 0] : f32 from vector<1x1x1xf32>
    %jit3A_632 = arith.constant 0.000000e+00 : f32
    %broadcast_in_dim3A_633 = vector.broadcast %jit3A_632 : f32 to vector<48x128xf32>
    %select_n3A_634 = arith.select %eq3A_623, %reduce_sum3A_2, %broadcast_in_dim3A_633 : vector<48x128xi1>, vector<48x128xf32>
    %reduce_sum3A_635 = vector.shape_cast %select_n3A_634 : vector<48x128xf32> to vector<1x48x128xf32>
    %reduce_sum3A_636 = arith.constant dense<0.000000e+00> : vector<1xf32>
    %reduce_sum3A_637 = vector.multi_reduction <add>, %reduce_sum3A_635, %reduce_sum3A_636 [1, 2] : vector<1x48x128xf32> to vector<1xf32>
    %reduce_sum3A_638 = vector.shape_cast %reduce_sum3A_637 : vector<1xf32> to vector<1x1x1xf32>
    %reduce_sum3A_639 = vector.extract %reduce_sum3A_638[0, 0, 0] : f32 from vector<1x1x1xf32>
    %and3A_640 = arith.andi %eq3A_620, %eq3A_623 : vector<48x128xi1>
    %jit3A_641 = arith.constant 0.000000e+00 : f32
    %broadcast_in_dim3A_642 = vector.broadcast %jit3A_641 : f32 to vector<48x128xf32>
    %select_n3A_643 = arith.select %and3A_640, %reduce_sum3A_2, %broadcast_in_dim3A_642 : vector<48x128xi1>, vector<48x128xf32>
    %reduce_sum3A_644 = vector.shape_cast %select_n3A_643 : vector<48x128xf32> to vector<1x48x128xf32>
    %reduce_sum3A_645 = arith.constant dense<0.000000e+00> : vector<1xf32>
    %reduce_sum3A_646 = vector.multi_reduction <add>, %reduce_sum3A_644, %reduce_sum3A_645 [1, 2] : vector<1x48x128xf32> to vector<1xf32>
    %reduce_sum3A_647 = vector.shape_cast %reduce_sum3A_646 : vector<1xf32> to vector<1x1x1xf32>
    %reduce_sum3A_648 = vector.extract %reduce_sum3A_647[0, 0, 0] : f32 from vector<1x1x1xf32>
    %add3A_649 = arith.addf %reduce_sum3A_631, %reduce_sum3A_639 : f32
    %sub3A_650 = arith.subf %add3A_649, %reduce_sum3A_648 : f32
    %add3A_651 = arith.constant 1.000000e-15 : f32
    %add3A_652 = arith.addf %sub3A_650, %add3A_651 : f32
    %div3A_653 = arith.divf %reduce_sum3A_648, %add3A_652 : f32
    %add3A_654 = arith.addf %add3A_617, %div3A_653 : f32
    %eq3A_655 = arith.constant 16 : i32
    %eq3A_656 = vector.broadcast %eq3A_655 : i32 to vector<48x128xi32>
    %eq3A_657 = arith.cmpi eq, %select_n3A_59, %eq3A_656 : vector<48x128xi32>
    %eq3A_658 = arith.constant 16 : i32
    %eq3A_659 = vector.broadcast %eq3A_658 : i32 to vector<48x128xi32>
    %eq3A_660 = arith.cmpi eq, %sub3A_63, %eq3A_659 : vector<48x128xi32>
    %jit3A_661 = arith.constant 0.000000e+00 : f32
    %broadcast_in_dim3A_662 = vector.broadcast %jit3A_661 : f32 to vector<48x128xf32>
    %select_n3A_663 = arith.select %eq3A_657, %reduce_sum3A_2, %broadcast_in_dim3A_662 : vector<48x128xi1>, vector<48x128xf32>
    %reduce_sum3A_664 = vector.shape_cast %select_n3A_663 : vector<48x128xf32> to vector<1x48x128xf32>
    %reduce_sum3A_665 = arith.constant dense<0.000000e+00> : vector<1xf32>
    %reduce_sum3A_666 = vector.multi_reduction <add>, %reduce_sum3A_664, %reduce_sum3A_665 [1, 2] : vector<1x48x128xf32> to vector<1xf32>
    %reduce_sum3A_667 = vector.shape_cast %reduce_sum3A_666 : vector<1xf32> to vector<1x1x1xf32>
    %reduce_sum3A_668 = vector.extract %reduce_sum3A_667[0, 0, 0] : f32 from vector<1x1x1xf32>
    %jit3A_669 = arith.constant 0.000000e+00 : f32
    %broadcast_in_dim3A_670 = vector.broadcast %jit3A_669 : f32 to vector<48x128xf32>
    %select_n3A_671 = arith.select %eq3A_660, %reduce_sum3A_2, %broadcast_in_dim3A_670 : vector<48x128xi1>, vector<48x128xf32>
    %reduce_sum3A_672 = vector.shape_cast %select_n3A_671 : vector<48x128xf32> to vector<1x48x128xf32>
    %reduce_sum3A_673 = arith.constant dense<0.000000e+00> : vector<1xf32>
    %reduce_sum3A_674 = vector.multi_reduction <add>, %reduce_sum3A_672, %reduce_sum3A_673 [1, 2] : vector<1x48x128xf32> to vector<1xf32>
    %reduce_sum3A_675 = vector.shape_cast %reduce_sum3A_674 : vector<1xf32> to vector<1x1x1xf32>
    %reduce_sum3A_676 = vector.extract %reduce_sum3A_675[0, 0, 0] : f32 from vector<1x1x1xf32>
    %and3A_677 = arith.andi %eq3A_657, %eq3A_660 : vector<48x128xi1>
    %jit3A_678 = arith.constant 0.000000e+00 : f32
    %broadcast_in_dim3A_679 = vector.broadcast %jit3A_678 : f32 to vector<48x128xf32>
    %select_n3A_680 = arith.select %and3A_677, %reduce_sum3A_2, %broadcast_in_dim3A_679 : vector<48x128xi1>, vector<48x128xf32>
    %reduce_sum3A_681 = vector.shape_cast %select_n3A_680 : vector<48x128xf32> to vector<1x48x128xf32>
    %reduce_sum3A_682 = arith.constant dense<0.000000e+00> : vector<1xf32>
    %reduce_sum3A_683 = vector.multi_reduction <add>, %reduce_sum3A_681, %reduce_sum3A_682 [1, 2] : vector<1x48x128xf32> to vector<1xf32>
    %reduce_sum3A_684 = vector.shape_cast %reduce_sum3A_683 : vector<1xf32> to vector<1x1x1xf32>
    %reduce_sum3A_685 = vector.extract %reduce_sum3A_684[0, 0, 0] : f32 from vector<1x1x1xf32>
    %add3A_686 = arith.addf %reduce_sum3A_668, %reduce_sum3A_676 : f32
    %sub3A_687 = arith.subf %add3A_686, %reduce_sum3A_685 : f32
    %add3A_688 = arith.constant 1.000000e-15 : f32
    %add3A_689 = arith.addf %sub3A_687, %add3A_688 : f32
    %div3A_690 = arith.divf %reduce_sum3A_685, %add3A_689 : f32
    %add3A_691 = arith.addf %add3A_654, %div3A_690 : f32
    %eq3A_692 = arith.constant 17 : i32
    %eq3A_693 = vector.broadcast %eq3A_692 : i32 to vector<48x128xi32>
    %eq3A_694 = arith.cmpi eq, %select_n3A_59, %eq3A_693 : vector<48x128xi32>
    %eq3A_695 = arith.constant 17 : i32
    %eq3A_696 = vector.broadcast %eq3A_695 : i32 to vector<48x128xi32>
    %eq3A_697 = arith.cmpi eq, %sub3A_63, %eq3A_696 : vector<48x128xi32>
    %jit3A_698 = arith.constant 0.000000e+00 : f32
    %broadcast_in_dim3A_699 = vector.broadcast %jit3A_698 : f32 to vector<48x128xf32>
    %select_n3A_700 = arith.select %eq3A_694, %reduce_sum3A_2, %broadcast_in_dim3A_699 : vector<48x128xi1>, vector<48x128xf32>
    %reduce_sum3A_701 = vector.shape_cast %select_n3A_700 : vector<48x128xf32> to vector<1x48x128xf32>
    %reduce_sum3A_702 = arith.constant dense<0.000000e+00> : vector<1xf32>
    %reduce_sum3A_703 = vector.multi_reduction <add>, %reduce_sum3A_701, %reduce_sum3A_702 [1, 2] : vector<1x48x128xf32> to vector<1xf32>
    %reduce_sum3A_704 = vector.shape_cast %reduce_sum3A_703 : vector<1xf32> to vector<1x1x1xf32>
    %reduce_sum3A_705 = vector.extract %reduce_sum3A_704[0, 0, 0] : f32 from vector<1x1x1xf32>
    %jit3A_706 = arith.constant 0.000000e+00 : f32
    %broadcast_in_dim3A_707 = vector.broadcast %jit3A_706 : f32 to vector<48x128xf32>
    %select_n3A_708 = arith.select %eq3A_697, %reduce_sum3A_2, %broadcast_in_dim3A_707 : vector<48x128xi1>, vector<48x128xf32>
    %reduce_sum3A_709 = vector.shape_cast %select_n3A_708 : vector<48x128xf32> to vector<1x48x128xf32>
    %reduce_sum3A_710 = arith.constant dense<0.000000e+00> : vector<1xf32>
    %reduce_sum3A_711 = vector.multi_reduction <add>, %reduce_sum3A_709, %reduce_sum3A_710 [1, 2] : vector<1x48x128xf32> to vector<1xf32>
    %reduce_sum3A_712 = vector.shape_cast %reduce_sum3A_711 : vector<1xf32> to vector<1x1x1xf32>
    %reduce_sum3A_713 = vector.extract %reduce_sum3A_712[0, 0, 0] : f32 from vector<1x1x1xf32>
    %and3A_714 = arith.andi %eq3A_694, %eq3A_697 : vector<48x128xi1>
    %jit3A_715 = arith.constant 0.000000e+00 : f32
    %broadcast_in_dim3A_716 = vector.broadcast %jit3A_715 : f32 to vector<48x128xf32>
    %select_n3A_717 = arith.select %and3A_714, %reduce_sum3A_2, %broadcast_in_dim3A_716 : vector<48x128xi1>, vector<48x128xf32>
    %reduce_sum3A_718 = vector.shape_cast %select_n3A_717 : vector<48x128xf32> to vector<1x48x128xf32>
    %reduce_sum3A_719 = arith.constant dense<0.000000e+00> : vector<1xf32>
    %reduce_sum3A_720 = vector.multi_reduction <add>, %reduce_sum3A_718, %reduce_sum3A_719 [1, 2] : vector<1x48x128xf32> to vector<1xf32>
    %reduce_sum3A_721 = vector.shape_cast %reduce_sum3A_720 : vector<1xf32> to vector<1x1x1xf32>
    %reduce_sum3A_722 = vector.extract %reduce_sum3A_721[0, 0, 0] : f32 from vector<1x1x1xf32>
    %add3A_723 = arith.addf %reduce_sum3A_705, %reduce_sum3A_713 : f32
    %sub3A_724 = arith.subf %add3A_723, %reduce_sum3A_722 : f32
    %add3A_725 = arith.constant 1.000000e-15 : f32
    %add3A_726 = arith.addf %sub3A_724, %add3A_725 : f32
    %div3A_727 = arith.divf %reduce_sum3A_722, %add3A_726 : f32
    %add3A_728 = arith.addf %add3A_691, %div3A_727 : f32
    %eq3A_729 = arith.constant 18 : i32
    %eq3A_730 = vector.broadcast %eq3A_729 : i32 to vector<48x128xi32>
    %eq3A_731 = arith.cmpi eq, %select_n3A_59, %eq3A_730 : vector<48x128xi32>
    %eq3A_732 = arith.constant 18 : i32
    %eq3A_733 = vector.broadcast %eq3A_732 : i32 to vector<48x128xi32>
    %eq3A_734 = arith.cmpi eq, %sub3A_63, %eq3A_733 : vector<48x128xi32>
    %jit3A_735 = arith.constant 0.000000e+00 : f32
    %broadcast_in_dim3A_736 = vector.broadcast %jit3A_735 : f32 to vector<48x128xf32>
    %select_n3A_737 = arith.select %eq3A_731, %reduce_sum3A_2, %broadcast_in_dim3A_736 : vector<48x128xi1>, vector<48x128xf32>
    %reduce_sum3A_738 = vector.shape_cast %select_n3A_737 : vector<48x128xf32> to vector<1x48x128xf32>
    %reduce_sum3A_739 = arith.constant dense<0.000000e+00> : vector<1xf32>
    %reduce_sum3A_740 = vector.multi_reduction <add>, %reduce_sum3A_738, %reduce_sum3A_739 [1, 2] : vector<1x48x128xf32> to vector<1xf32>
    %reduce_sum3A_741 = vector.shape_cast %reduce_sum3A_740 : vector<1xf32> to vector<1x1x1xf32>
    %reduce_sum3A_742 = vector.extract %reduce_sum3A_741[0, 0, 0] : f32 from vector<1x1x1xf32>
    %jit3A_743 = arith.constant 0.000000e+00 : f32
    %broadcast_in_dim3A_744 = vector.broadcast %jit3A_743 : f32 to vector<48x128xf32>
    %select_n3A_745 = arith.select %eq3A_734, %reduce_sum3A_2, %broadcast_in_dim3A_744 : vector<48x128xi1>, vector<48x128xf32>
    %reduce_sum3A_746 = vector.shape_cast %select_n3A_745 : vector<48x128xf32> to vector<1x48x128xf32>
    %reduce_sum3A_747 = arith.constant dense<0.000000e+00> : vector<1xf32>
    %reduce_sum3A_748 = vector.multi_reduction <add>, %reduce_sum3A_746, %reduce_sum3A_747 [1, 2] : vector<1x48x128xf32> to vector<1xf32>
    %reduce_sum3A_749 = vector.shape_cast %reduce_sum3A_748 : vector<1xf32> to vector<1x1x1xf32>
    %reduce_sum3A_750 = vector.extract %reduce_sum3A_749[0, 0, 0] : f32 from vector<1x1x1xf32>
    %and3A_751 = arith.andi %eq3A_731, %eq3A_734 : vector<48x128xi1>
    %jit3A_752 = arith.constant 0.000000e+00 : f32
    %broadcast_in_dim3A_753 = vector.broadcast %jit3A_752 : f32 to vector<48x128xf32>
    %select_n3A_754 = arith.select %and3A_751, %reduce_sum3A_2, %broadcast_in_dim3A_753 : vector<48x128xi1>, vector<48x128xf32>
    %reduce_sum3A_755 = vector.shape_cast %select_n3A_754 : vector<48x128xf32> to vector<1x48x128xf32>
    %reduce_sum3A_756 = arith.constant dense<0.000000e+00> : vector<1xf32>
    %reduce_sum3A_757 = vector.multi_reduction <add>, %reduce_sum3A_755, %reduce_sum3A_756 [1, 2] : vector<1x48x128xf32> to vector<1xf32>
    %reduce_sum3A_758 = vector.shape_cast %reduce_sum3A_757 : vector<1xf32> to vector<1x1x1xf32>
    %reduce_sum3A_759 = vector.extract %reduce_sum3A_758[0, 0, 0] : f32 from vector<1x1x1xf32>
    %add3A_760 = arith.addf %reduce_sum3A_742, %reduce_sum3A_750 : f32
    %sub3A_761 = arith.subf %add3A_760, %reduce_sum3A_759 : f32
    %add3A_762 = arith.constant 1.000000e-15 : f32
    %add3A_763 = arith.addf %sub3A_761, %add3A_762 : f32
    %div3A_764 = arith.divf %reduce_sum3A_759, %add3A_763 : f32
    %add3A_765 = arith.addf %add3A_728, %div3A_764 : f32
    %div3A_766 = arith.constant 1.900000e+01 : f32
    %div3A_767 = arith.divf %add3A_765, %div3A_766 : f32
    %mul3A_768 = arith.constant 0.000000e+00 : f32
    %mul3A_769 = arith.mulf %mul3A_768, %div3A_767 : f32
    %add3A_770 = arith.constant 1.000000e+00 : f32
    %add3A_771 = arith.addf %add3A_770, %mul3A_769 : f32
    %reshape3A_772 = vector.broadcast %add3A_771 : f32 to vector<1x1xf32>
    %swap3A = arith.constant 0 : index
    %swap3A_773 = arith.constant 0 : index
    %swap3A_774 = vector.load %arg1[%swap3A, %swap3A_773] : memref<1x1xf32, #tpu.memory_space<vmem>>, vector<1x1xf32>
    tpu.vector_store %arg1[%swap3A, %swap3A_773], %reshape3A_772 {strides = array<i32>} : memref<1x1xf32, #tpu.memory_space<vmem>>, vector<1x1xf32>,
    return
  }
}

</mosaic_0001>

<sc_bundles>
// kernel: kernel.5.cloned.1.call-start
scs
__scs_entry_jumppad:
0x0: {  	(pc) =	sbr.rel $0x88, $3  }
0x1: {  	(tag) =	ssettag $0x0;
	lr =	simm.s32 $0x1  }
0x2: {  	[smem:$0x3F9F] =	sst lr;
	_ =	strace $0xD0000000  }
0x3: {  	_ = 	snop  }
0x4: {  	_ = 	snop  }
0x5: {  	_ = 	snop  }
0x6: {  	_ = 	snop  }
0x7: {  	_ = 	snop  }
__scs_overlays_trampoline_lowered:
0x8: {  	[smem:$0x3FAE] =	sst s0  }
0x9: {  	[smem:$0x3FAF] =	sst s1  }
0xa: {  	[smem:$0x3FB0] =	sst s2  }
0xb: {  	[smem:$0x3FB1] =	sst s3  }
0xc: {  	[smem:$0x3FB2] =	sst s4  }
0xd: {  	[smem:$0x3FB3] =	sst s5  }
0xe: {  	[smem:$0x3FB4] =	sst s6  }
0xf: {  	[smem:$0x3FB5] =	sst s7  }
0x10: {  	[smem:$0x3FB6] =	sst s8  }
0x11: {  	[smem:$0x3FB7] =	sst s9;
	s0 =	simm.s32 @!p0 $0x0  }
0x12: {  	s1 =	sld [smem:$0x3F9D];
	s0 =	simm.s32 @p0 $0x1  }
0x13: {  	[smem:$0x3FB8] =	sst s0;
	s0 =	simm.s32 @!p1 $0x0  }
0x14: {  	s2 =	sld [smem:$0x3F9C];
	s0 =	simm.s32 @p1 $0x1  }
0x15: {  	[smem:$0x3FB9] =	sst s0;
	s0 =	simm.s32 @!p2 $0x0  }
0x16: {  	s3 =	sld [smem:$0x3FDB];
	s0 =	simm.s32 @p2 $0x1  }
0x17: {  	s4 =	simm.s32 $0x1BF5;
	[smem:$0x3FBB] =	sst s0  }
0x18: {  	s0 =	sld [smem:$0x3F9E];
	_ =	swait.ge [sflag:s4], $0x0  }
0x19: {  	s7 =	sld [smem:$0x3F9F]  }
0x1a: {  	s8 =	sadd.s32 $0xFFFFE003, lr  }
0x1b: {  	s9 =	sadd.s32 $0xFFFFFEF7, lr;
	s5 =	simm.s32 $0xFFFFFFFF;
	p2 =	slt.u32 s8, $0xFFFFF086  }
0x1c: {  	p1 =	slt.u32 s9, $0xF7A;
	s5 =	simm.s32 @!p2 $0x0  }
0x1d: {  	s5 =	simm.s32 @p1 $0x1;
	p0 =	seq.s32 s7, s2  }
0x1e: {  	s7 =	smul.u32 @!p0 $0xF7A, s2;
	p2 =	seq.s32 @!p0 s5, $0x0  }
0x1f: {  	s9 =	smul.u32 $0xF7A, s1;
	s8 =	simm.s32 @!p0 $0x1BF5;
	p2 =	por !p2, p0  }
0x20: {  	[sflag:s8] =	ssyncset.s32 @!p0 $0xFFFFF086;
	s6 =	sadd.s32 @!p0 s3, s7;
	s7 =	simm.s32 @!p0 $0x108  }
0x21: {  	s3 =	sadd.s32 s3, s9;
	s6 =	sadd.s32 @!p0 $0x88, s6;
	s7 =	simm.s32 @p2 $0x1082  }
0x22: {  	[simem:s7], [sflag:s8] =	dma.local @!p0 [hbm:s6], $0xF7A  }
0x23: {  	s9 =	sor.u32 $0xD0000000, s2;
	s6 =	simm.s32 $0x108;
	_ =	swait.ge @!p0 [sflag:s8], $0x0  }
0x24: {  	s3 =	sadd.s32 $0x88, s3;
	s6 =	simm.s32 @!p1 $0x1082;
	[sflag:s4] =	ssyncset.s32 $0xFFFFF086  }
0x25: {  	[simem:s6], [sflag:s4] =	dma.local [hbm:s3], $0xF7A  }
0x26: {  	[smem:$0x3F9F] =	sst s1;
	(tag) =	ssettag s2;
	_ =	strace s9  }
0x27: {  	s1 =	sld [smem:$0x3FAF]  }
0x28: {  	s2 =	sld [smem:$0x3FB0]  }
0x29: {  	s4 =	sld [smem:$0x3FB2]  }
0x2a: {  	p0 =	seq.s32 s5, $0x0;
	s5 =	sld [smem:$0x3FB3]  }
0x2b: {  	s6 =	sld [smem:$0x3FB4]  }
0x2c: {  	s7 =	sld [smem:$0x3FB5]  }
0x2d: {  	s3 =	simm.s32 $0x108;
	s8 =	sld [smem:$0x3FB6]  }
0x2e: {  	s3 =	simm.s32 @!p0 $0x1082;
	s9 =	sld [smem:$0x3FB7]  }
0x2f: {  	lr =	sadd.s32 s0, s3;
	s0 =	sld [smem:$0x3FAE]  }
0x30: {  	s3 =	sld [smem:$0x3FB1]  }
0x31: {  	[smem:$0x3FBA] =	sst s10  }
0x32: {  	s10 =	sld [smem:$0x3FB8];
	_ =	sdelay $0x3  }
0x33: {  	p0 =	seq.s32 s10, $0x1;
	s10 =	sld [smem:$0x3FBA];
	_ =	sdelay $0x3  }
0x34: {  	[smem:$0x3FBA] =	sst s10  }
0x35: {  	s10 =	sld [smem:$0x3FB9];
	_ =	sdelay $0x3  }
0x36: {  	p1 =	seq.s32 s10, $0x1;
	s10 =	sld [smem:$0x3FBA];
	_ =	sdelay $0x3  }
0x37: {  	[smem:$0x3FBA] =	sst s10  }
0x38: {  	s10 =	sld [smem:$0x3FBB]  }
0x39: {  	_ = 	snop;
	(pc) =	sbr.ind lr, $3  }
0x3a: {  	_ = 	snop  }
0x3b: {  	_ = 	snop  }
0x3c: {  	p2 =	seq.s32 s10, $0x1;
	s10 =	sld [smem:$0x3FBA]  }
0x3d: {  	_ =	shalt  }
0x3e: {  	_ =	shalt  }
0x3f: {  	_ =	shalt  }
0x40: {  	_ =	shalt  }
0x41: {  	_ =	shalt  }
0x42: {  	_ =	shalt  }
0x43: {  	_ =	shalt  }
0x44: {  	_ =	shalt  }
0x45: {  	_ =	shalt  }
0x46: {  	_ =	shalt  }
0x47: {  	_ =	shalt  }
0x48: {  	_ =	shalt  }
0x49: {  	_ =	shalt  }
0x4a: {  	_ =	shalt  }
0x4b: {  	_ =	shalt  }
0x4c: {  	_ =	shalt  }
0x4d: {  	_ =	shalt  }
0x4e: {  	_ =	shalt  }
0x4f: {  	_ =	shalt  }
0x50: {  	_ =	shalt  }
0x51: {  	_ =	shalt  }
0x52: {  	_ =	shalt  }
0x53: {  	_ =	shalt  }
0x54: {  	_ =	shalt  }
0x55: {  	_ =	shalt  }
0x56: {  	_ =	shalt  }
0x57: {  	_ =	shalt  }
0x58: {  	_ =	shalt  }
0x59: {  	_ =	shalt  }
0x5a: {  	_ =	shalt  }
0x5b: {  	_ =	shalt  }
0x5c: {  	_ =	shalt  }
0x5d: {  	_ =	shalt  }
0x5e: {  	_ =	shalt  }
0x5f: {  	_ =	shalt  }
0x60: {  	_ =	shalt  }
0x61: {  	_ =	shalt  }
0x62: {  	_ =	shalt  }
0x63: {  	_ =	shalt  }
0x64: {  	_ =	shalt  }
0x65: {  	_ =	shalt  }
0x66: {  	_ =	shalt  }
0x67: {  	_ =	shalt  }
0x68: {  	_ =	shalt  }
0x69: {  	_ =	shalt  }
0x6a: {  	_ =	shalt  }
0x6b: {  	_ =	shalt  }
0x6c: {  	_ =	shalt  }
0x6d: {  	_ =	shalt  }
0x6e: {  	_ =	shalt  }
0x6f: {  	_ =	shalt  }
0x70: {  	_ =	shalt  }
0x71: {  	_ =	shalt  }
0x72: {  	_ =	shalt  }
0x73: {  	_ =	shalt  }
0x74: {  	_ =	shalt  }
0x75: {  	_ =	shalt  }
0x76: {  	_ =	shalt  }
0x77: {  	_ =	shalt  }
0x78: {  	_ =	shalt  }
0x79: {  	_ =	shalt  }
0x7a: {  	_ =	shalt  }
0x7b: {  	_ =	shalt  }
0x7c: {  	_ =	shalt  }
0x7d: {  	_ =	shalt  }
0x7e: {  	_ =	shalt  }
0x7f: {  	_ =	shalt  }
0x80: {  	_ =	shalt  }
0x81: {  	_ =	shalt  }
0x82: {  	_ =	shalt  }
0x83: {  	_ =	shalt  }
0x84: {  	_ =	shalt  }
0x85: {  	_ =	shalt  }
0x86: {  	_ =	shalt  }
0x87: {  	_ =	shalt  }
.Lfunc_end0:
.L_simem_size_0:
called_computation_lowered:
.L_overlay_start_0:
0x88: {  	s2 =	sld [smem:$0x3FD9]  }
0x89: {  	s3 =	sld [smem:$0x3FFE];
	_ =	sdelay $0x1  }
0x8a: {  	s1 =	srdreg.scid  }
0x8b: {  	s0 =	sand.u32 $0x1, s1  }
0x8c: {  	s16 =	sshll.u32 s0, $0xA;
	s2 =	sadd.s32 s3, s2  }
0x8d: {  	s2 =	sadd.s32 s2, s16  }
0x8e: {  	[smem:$0x3FC6] =	sst s2  }
0x8f: {  	_ = 	snop  }
0x90: {  	(tm) =	ssettm $0x1  }
0x91: {  	s17 =	sld [smem:$0x3FFB];
	_ =	sdelay $0x3  }
0x92: {  	_ =	strace s17  }
0x93: {  	s2 =	sld [smem:$0x3FFC];
	_ =	sdelay $0x3  }
0x94: {  	_ =	strace s2  }
0x95: {  	s2 =	sld [smem:$0x3FFD];
	_ =	sdelay $0x3  }
0x96: {  	_ =	strace s2  }
0x97: {  	_ =	strace $0x8FFFFFFF  }
0x98: {  	s18 =	sld [smem:$0x3FDB];
	_ =	sdelay $0x1  }
0x99: {  	s19 =	simm.s32 $_scs_section_size  }
0x9a: {  	s4 =	simm.s32 $_size__tile_overlayer_lowered;
	s5 =	simm.s32 $_tile_overlayer_lowered  }
0x9b: {  	s22 =	simm.s32 $0x1BFF;
	s21 =	sshll.u32 s5, $0x1;
	s2 =	sadd.s32 s19, s18  }
0x9c: {  	s6 =	simm.s32 $0x0;
	s20 =	sshll.u32 s4, $0x1;
	s4 =	sadd.s32 s21, s2  }
0x9d: {  	[timem:s6], [sflag:s22] =	dma.local [hbm:s4], s20  }
0x9e: {  	_ =	swait.ge [sflag:s22], s20  }
0x9f: {  	s3 =	ssub.s32 $0x0, s20;
	[sflag:s22] =	ssyncset.done $0x0  }
0xa0: {  	[sflag:s22] =	ssyncadd.s32 s3;
	_ =	sdelay $0x1  }
0xa1: {  	s23 =	simm.s32 $0x1B8B  }
0xa2: {  	_ =	swait.ge [sflag:s23], $0x1  }
0xa3: {  	[sflag:s23] =	ssyncset.done $0x0  }
0xa4: {  	s25 =	simm.s32 $0x1B8E;
	s24 =	sld [smem:$0x3FFE];
	[sflag:s23] =	ssyncadd.s32 $0xFFFFFFFF  }
0xa5: {  	s26 =	simm.s32 $execute0_lowered;
	[smem:$0x3FD2] =	sst s25  }
0xa6: {  	s4 =	sshll.u32 s26, $0x1;
	_ =	strace $0x80000046;
	[dreg:$0x1] =	wrdreg $0xFFFFFFFF  }
0xa7: {  	s28 =	simm.s32 $_size_execute0_lowered;
	s2 =	sadd.s32 s2, s4;
	[dreg:$0x0] =	wrdreg $0x0  }
0xa8: {  	s4 =	sshll.u32 s28, $0x1;
	[dreg:$0x2] =	wrdreg s2  }
0xa9: {  	[dreg:$0x3] =	wrdreg s4  }
0xaa: {  	[dreg:$0x4] =	wrdreg $0xC0  }
0xab: {  	_ =	task [dreg:s6], $0x5FFFF  }
0xac: {  	[dreg:$0x1] =	wrdreg $0xFFFFFFFF  }
0xad: {  	[dreg:$0x0] =	wrdreg $0x60  }
0xae: {  	[dreg:$0x2] =	wrdreg s24  }
0xaf: {  	[dreg:$0x3] =	wrdreg $0x9  }
0xb0: {  	_ =	task.clear_ibuf [dreg:s6], $0x4FFFF;
	_ =	strace $0x90000046  }
0xb1: {  	s29 =	simm.s32 $0x9;
	_ =	strace $0x80000048  }
0xb2: {  	_ =	swait.ge [sflag:s29], $0x1  }
0xb3: {  	[sflag:s29] =	ssyncadd.s32 $0xFFFFFFFF  }
0xb4: {  	_ =	strace $0x90000048  }
0xb5: {  	_ =	sfence  }
0xb6: {  	s30 =	sld [smem:$0x0];
	_ =	sdelay $0x2  }
0xb7: {  	s31 =	sshll.u32 s1, $0xD;
	s1 =	sshrl.u32 s1, $0x2  }
0xb8: {  	s3 =	sand.u32 $0x4000, s31;
	s1 =	sadd.s32 s1, s30  }
0xb9: {  	s0 =	sor.u32 s3, s0;
	s1 =	sshll.u32 s1, $0x11  }
0xba: {  	s0 =	sor.u32 s1, s0  }
0xbb: {  	s0 =	sadd.s32 $0x8F2B, s0  }
0xbc: {  	[sflag:s0] =	ssyncadd.remote.s32 $0x1  }
0xbd: {  	_ =	sfence.sel $0xFFFF  }
0xbe: {  	[dreg:$0x0] =	wrdreg $0xFFFFFFFF;
	(pc) =	sbr.abs _section_cstart, $3  }
0xbf: {  	[dreg:$0x1] =	wrdreg $0xFFFFFFFF  }
0xc0: {  	_ =	task.clear_ibuf [dreg:s6], $0x2FFFF;
	_ =	strace $0x9FFFFFFF  }
0xc1: {  	(tm) =	ssettm $0x7FFFFFFF  }
tec
execute0_lowered:
.L_overlay_start_1:
0x0: {  	(tag) =	ssettag $0x1  }
0x1: {  	s3 =	rddreg [dreg:$0x0]  }
0x2: {  	s0 =	rddreg [dreg:$0x1]  }
0x3: {  	s2 =	simm.s32 $0x0;
	s1 =	stileid.u32;
	s4 =	srdreg.scid  }
0x4: {  	s8 =	simm.s32 $0x10000;
	s9 =	simm.s32 $0x2;
	s10 =	simm.s32 $0x0  }
0x5: {  	s4 =	sand.u32 $0x1, s4;
	s5 =	sshll.u32 s1, $0x1;
	s6 =	sshll.u32 s1, $0xE  }
0x6: {  	[smem:$0x7FF] =	sst s2;
	s5 =	sor.u32 s4, s5;
	s6 =	sand.u32 $0x38000, s6  }
0x7: {  	s4 =	ssub.s32 $0x2, s4;
	s7 =	smul.u32 $0x300, s5;
	s5 =	sshll.u32 s5, $0xD  }
0x8: {  	s6 =	sadd.s32 s6, s3;
	s30 =	sshrl.u32 s4, $0x1;
	s5 =	sand.u32 $0x6000, s5  }
0x9: {  	_ =	strace $0x80000047;
	s31 =	ssub.s32 s4, s30;
	s5 =	sadd.s32 s5, s6  }
0xa: {  	v0 =	vimm.s32 $0x0;
	v1 =	vlaneseq.u32;
	v2 =	vimm.s32 $0x1;
	s7 =	sadd.s32 s7, s3;
	s6 =	simm.s32 $0x1;
	s3 =	sadd.s32 $0xA00, s5  }
0xb: {  	v3 =	vor.u32 $0x1800, v1;
	v4 =	vor.u32 $0x3000, v1;
	v5 =	vor.u32 $0x4800, v1;
	s4 =	sadd.s32 $0x40A00, s7;
	s5 =	smax.u32 s31, $0x1;
	s7 =	simm.s32 $0x11800  }
.LBB2_1:
0xc: {  	[tilespmem:s2], [sflag:$0x1] =	stream.linear.gather [hbm4b:s3+s2], $0x10000, $0x38;
	[tilespmem:$0x17800] =	vst v63  }
0xd: {  	s11 =	simm.s32 $0x11840  }
0xe: {  	[tilespmem:s11+$0xFFFFFFC0] =	vst v0  }
0xf: {  	[tilespmem:s11+$0x30] =	vst v0  }
0x10: {  	[tilespmem:s11+$0x20] =	vst v0  }
0x11: {  	[tilespmem:s11+$0x10] =	vst v0  }
0x12: {  	[tilespmem:s11+$0x0] =	vst v0  }
0x13: {  	[tilespmem:s11+$0xFFFFFFF0] =	vst v0  }
0x14: {  	s12 =	simm.s32 $0x0;
	[tilespmem:s11+$0xFFFFFFE0] =	vst v0  }
.LBB2_2:
0x15: {  	s12 =	sadd.s32 $0x8, s12;
	[tilespmem:s11+$0xFFFFFFD0] =	vst v0;
	s11 =	sadd.s32 $0x80, s11  }
0x16: {  	[tilespmem:s11+$0xFFFFFFC0] =	vst v0;
	p0 =	slt.u32 s12, $0x5F8  }
0x17: {  	[tilespmem:s11+$0x30] =	vst v0  }
.Ltmp0:
0x18: {  	[tilespmem:s11+$0x20] =	vst v0;
	(pc) =	sbr.rel @p0 .LBB2_2-.Ltmp0, $4  }
0x19: {  	[tilespmem:s11+$0x10] =	vst v0  }
0x1a: {  	[tilespmem:s11+$0x0] =	vst v0  }
0x1b: {  	[tilespmem:s11+$0xFFFFFFF0] =	vst v0  }
0x1c: {  	[tilespmem:s11+$0xFFFFFFE0] =	vst v0  }
0x1d: {  	[tilespmem:s11+$0xFFFFFFD0] =	vst v0  }
0x1e: {  	s11 =	simm.s32 $0x0;
	_ =	swait.ge [sflag:s6], $0x10000  }
0x1f: {  	s12 =	sand.u32 $0xF000, s11;
	s13 =	sand.u32 $0x300, s11;
	[sflag:s6] =	ssyncset.done $0x0  }
0x20: {  	s16 =	sor.u32 s13, s12;
	[sflag:s6] =	ssyncadd.s32 $0xFFFF0000  }
0x21: {  	v6 =	vld [tilespmem:s16+$0x80];
	_ =	sdelay $0x1  }
0x22: {  	v7 =	vld [tilespmem:s16+$0x0];
	_ =	sdelay $0x2  }
0x23: {  	v6 =	vadd.s32 v1, v6;
	_ =	sdelay $0x1  }
0x24: {  	v7 =	vadd.s32 v1, v7;
	_ =	sdelay $0x2  }
0x25: {  	[tilespmem:v6+s7+$0x0] =	vst.idx.add.s32.msk $0xffff, v2  }
0x26: {  	v6 =	vld [tilespmem:s16+$0x90]  }
0x27: {  	[tilespmem:v7+s7+$0x0] =	vst.idx.add.s32.msk $0xffff, v2  }
0x28: {  	v7 =	vld [tilespmem:s16+$0x10];
	_ =	sdelay $0x2  }
0x29: {  	v6 =	vadd.s32 v3, v6;
	_ =	sdelay $0x1  }
0x2a: {  	v7 =	vadd.s32 v3, v7;
	_ =	sdelay $0x2  }
0x2b: {  	[tilespmem:v6+s7+$0x0] =	vst.idx.add.s32.msk $0xffff, v2  }
0x2c: {  	v6 =	vld [tilespmem:s16+$0xA0]  }
0x2d: {  	[tilespmem:v7+s7+$0x0] =	vst.idx.add.s32.msk $0xffff, v2  }
0x2e: {  	v7 =	vld [tilespmem:s16+$0x20];
	_ =	sdelay $0x2  }
0x2f: {  	v6 =	vadd.s32 v4, v6;
	_ =	sdelay $0x1  }
0x30: {  	v7 =	vadd.s32 v4, v7;
	_ =	sdelay $0x2  }
0x31: {  	[tilespmem:v6+s7+$0x0] =	vst.idx.add.s32.msk $0xffff, v2  }
0x32: {  	v6 =	vld [tilespmem:s16+$0xB0]  }
0x33: {  	[tilespmem:v7+s7+$0x0] =	vst.idx.add.s32.msk $0xffff, v2  }
0x34: {  	v7 =	vld [tilespmem:s16+$0x30];
	_ =	sdelay $0x2  }
0x35: {  	v6 =	vadd.s32 v5, v6;
	_ =	sdelay $0x1  }
0x36: {  	v7 =	vadd.s32 v5, v7;
	_ =	sdelay $0x2  }
0x37: {  	[tilespmem:v6+s7+$0x0] =	vst.idx.add.s32.msk $0xffff, v2  }
0x38: {  	v6 =	vld [tilespmem:s16+$0xC0]  }
0x39: {  	[tilespmem:v7+s7+$0x0] =	vst.idx.add.s32.msk $0xffff, v2  }
0x3a: {  	v7 =	vld [tilespmem:s16+$0x40];
	_ =	sdelay $0x2  }
0x3b: {  	v6 =	vadd.s32 v1, v6;
	_ =	sdelay $0x1  }
0x3c: {  	v7 =	vadd.s32 v1, v7;
	_ =	sdelay $0x2  }
0x3d: {  	[tilespmem:v6+s7+$0x0] =	vst.idx.add.s32.msk $0xffff, v2  }
0x3e: {  	v6 =	vld [tilespmem:s16+$0xD0]  }
0x3f: {  	[tilespmem:v7+s7+$0x0] =	vst.idx.add.s32.msk $0xffff, v2  }
0x40: {  	v7 =	vld [tilespmem:s16+$0x50];
	_ =	sdelay $0x2  }
0x41: {  	v6 =	vadd.s32 v3, v6;
	_ =	sdelay $0x1  }
0x42: {  	v7 =	vadd.s32 v3, v7;
	_ =	sdelay $0x2  }
0x43: {  	[tilespmem:v6+s7+$0x0] =	vst.idx.add.s32.msk $0xffff, v2  }
0x44: {  	v6 =	vld [tilespmem:s16+$0xE0]  }
0x45: {  	[tilespmem:v7+s7+$0x0] =	vst.idx.add.s32.msk $0xffff, v2  }
0x46: {  	v7 =	vld [tilespmem:s16+$0x60];
	_ =	sdelay $0x2  }
0x47: {  	v6 =	vadd.s32 v4, v6;
	_ =	sdelay $0x1  }
0x48: {  	v7 =	vadd.s32 v4, v7;
	_ =	sdelay $0x2  }
0x49: {  	[tilespmem:v6+s7+$0x0] =	vst.idx.add.s32.msk $0xffff, v2  }
0x4a: {  	v6 =	vld [tilespmem:s16+$0xF0]  }
0x4b: {  	[tilespmem:v7+s7+$0x0] =	vst.idx.add.s32.msk $0xffff, v2  }
0x4c: {  	v7 =	vld [tilespmem:s16+$0x70];
	_ =	sdelay $0x2  }
0x4d: {  	v6 =	vadd.s32 v5, v6;
	_ =	sdelay $0x1  }
0x4e: {  	v7 =	vadd.s32 v5, v7;
	_ =	sdelay $0x2  }
0x4f: {  	[tilespmem:v6+s7+$0x0] =	vst.idx.add.s32.msk $0xffff, v2  }
0x50: {  	v6 =	vld [tilespmem:s16+$0x480]  }
0x51: {  	[tilespmem:v7+s7+$0x0] =	vst.idx.add.s32.msk $0xffff, v2  }
0x52: {  	v7 =	vld [tilespmem:s16+$0x400];
	_ =	sdelay $0x2  }
0x53: {  	v6 =	vadd.s32 v1, v6  }
0x54: {  	s28 =	simm.s32 $0x100;
	s12 =	simm.s32 $0x400  }
0x55: {  	s13 =	sand.u32 $0x300, s28;
	s14 =	sand.u32 $0xF000, s12;
	v7 =	vadd.s32 v1, v7  }
0x56: {  	s13 =	sor.u32 s13, s14  }
0x57: {  	v8 =	vld [tilespmem:s13+$0x80]  }
0x58: {  	[tilespmem:v6+s7+$0x0] =	vst.idx.add.s32.msk $0xffff, v2  }
0x59: {  	v6 =	vld [tilespmem:s16+$0x490]  }
0x5a: {  	[tilespmem:v7+s7+$0x0] =	vst.idx.add.s32.msk $0xffff, v2  }
0x5b: {  	v7 =	vld [tilespmem:s16+$0x410]  }
0x5c: {  	v8 =	vadd.s32 v1, v8;
	_ =	sdelay $0x1  }
0x5d: {  	v6 =	vadd.s32 v3, v6;
	_ =	sdelay $0x1  }
0x5e: {  	v7 =	vadd.s32 v3, v7  }
0x5f: {  	[tilespmem:v8+s7+$0x0] =	vst.idx.add.s32.msk $0xffff, v2  }
0x60: {  	v8 =	vld [tilespmem:s13+$0x90]  }
0x61: {  	[tilespmem:v6+s7+$0x0] =	vst.idx.add.s32.msk $0xffff, v2  }
0x62: {  	v6 =	vld [tilespmem:s16+$0x4A0]  }
0x63: {  	[tilespmem:v7+s7+$0x0] =	vst.idx.add.s32.msk $0xffff, v2  }
0x64: {  	v7 =	vld [tilespmem:s16+$0x420]  }
0x65: {  	v8 =	vadd.s32 v3, v8;
	_ =	sdelay $0x1  }
0x66: {  	v6 =	vadd.s32 v4, v6;
	_ =	sdelay $0x1  }
0x67: {  	v7 =	vadd.s32 v4, v7  }
0x68: {  	[tilespmem:v8+s7+$0x0] =	vst.idx.add.s32.msk $0xffff, v2  }
0x69: {  	v8 =	vld [tilespmem:s13+$0xA0]  }
0x6a: {  	[tilespmem:v6+s7+$0x0] =	vst.idx.add.s32.msk $0xffff, v2  }
0x6b: {  	v6 =	vld [tilespmem:s16+$0x4B0]  }
0x6c: {  	[tilespmem:v7+s7+$0x0] =	vst.idx.add.s32.msk $0xffff, v2  }
0x6d: {  	v7 =	vld [tilespmem:s16+$0x430]  }
0x6e: {  	v8 =	vadd.s32 v4, v8;
	_ =	sdelay $0x1  }
0x6f: {  	v6 =	vadd.s32 v5, v6;
	_ =	sdelay $0x1  }
0x70: {  	v9 =	vld [tilespmem:s13+$0x0];
	v7 =	vadd.s32 v5, v7  }
0x71: {  	[tilespmem:v8+s7+$0x0] =	vst.idx.add.s32.msk $0xffff, v2  }
0x72: {  	v8 =	vld [tilespmem:s13+$0xB0]  }
0x73: {  	[tilespmem:v6+s7+$0x0] =	vst.idx.add.s32.msk $0xffff, v2  }
0x74: {  	v6 =	vld [tilespmem:s16+$0x4C0]  }
0x75: {  	[tilespmem:v7+s7+$0x0] =	vst.idx.add.s32.msk $0xffff, v2;
	v7 =	vadd.s32 v1, v9  }
0x76: {  	v9 =	vld [tilespmem:s16+$0x440]  }
0x77: {  	v8 =	vadd.s32 v5, v8;
	_ =	sdelay $0x1  }
0x78: {  	v6 =	vadd.s32 v1, v6  }
0x79: {  	[tilespmem:v7+s7+$0x0] =	vst.idx.add.s32.msk $0xffff, v2  }
0x7a: {  	v7 =	vadd.s32 v1, v9;
	v9 =	vld [tilespmem:s13+$0x10]  }
0x7b: {  	[tilespmem:v8+s7+$0x0] =	vst.idx.add.s32.msk $0xffff, v2  }
0x7c: {  	v8 =	vld [tilespmem:s13+$0xC0]  }
0x7d: {  	[tilespmem:v6+s7+$0x0] =	vst.idx.add.s32.msk $0xffff, v2  }
0x7e: {  	v6 =	vld [tilespmem:s16+$0x4D0]  }
0x7f: {  	[tilespmem:v7+s7+$0x0] =	vst.idx.add.s32.msk $0xffff, v2;
	v7 =	vadd.s32 v3, v9  }
0x80: {  	v9 =	vld [tilespmem:s16+$0x450]  }
0x81: {  	v8 =	vadd.s32 v1, v8;
	_ =	sdelay $0x1  }
0x82: {  	v6 =	vadd.s32 v3, v6  }
0x83: {  	[tilespmem:v7+s7+$0x0] =	vst.idx.add.s32.msk $0xffff, v2  }
0x84: {  	v7 =	vadd.s32 v3, v9;
	v9 =	vld [tilespmem:s13+$0x20]  }
0x85: {  	[tilespmem:v8+s7+$0x0] =	vst.idx.add.s32.msk $0xffff, v2  }
0x86: {  	v8 =	vld [tilespmem:s13+$0xD0]  }
0x87: {  	[tilespmem:v6+s7+$0x0] =	vst.idx.add.s32.msk $0xffff, v2  }
0x88: {  	v6 =	vld [tilespmem:s16+$0x4E0]  }
0x89: {  	[tilespmem:v7+s7+$0x0] =	vst.idx.add.s32.msk $0xffff, v2;
	v7 =	vadd.s32 v4, v9  }
0x8a: {  	v9 =	vld [tilespmem:s16+$0x460]  }
0x8b: {  	v8 =	vadd.s32 v3, v8;
	_ =	sdelay $0x1  }
0x8c: {  	v6 =	vadd.s32 v4, v6  }
0x8d: {  	[tilespmem:v7+s7+$0x0] =	vst.idx.add.s32.msk $0xffff, v2  }
0x8e: {  	v7 =	vadd.s32 v4, v9;
	v9 =	vld [tilespmem:s13+$0x30]  }
0x8f: {  	[tilespmem:v8+s7+$0x0] =	vst.idx.add.s32.msk $0xffff, v2  }
0x90: {  	v8 =	vld [tilespmem:s13+$0xE0]  }
0x91: {  	[tilespmem:v6+s7+$0x0] =	vst.idx.add.s32.msk $0xffff, v2  }
0x92: {  	v6 =	vld [tilespmem:s16+$0x4F0]  }
0x93: {  	[tilespmem:v7+s7+$0x0] =	vst.idx.add.s32.msk $0xffff, v2;
	v7 =	vadd.s32 v5, v9  }
0x94: {  	v9 =	vld [tilespmem:s16+$0x470]  }
0x95: {  	v8 =	vadd.s32 v4, v8;
	_ =	sdelay $0x1  }
0x96: {  	v6 =	vadd.s32 v5, v6  }
0x97: {  	[tilespmem:v7+s7+$0x0] =	vst.idx.add.s32.msk $0xffff, v2  }
0x98: {  	v7 =	vadd.s32 v5, v9;
	v9 =	vld [tilespmem:s13+$0x40]  }
0x99: {  	[tilespmem:v8+s7+$0x0] =	vst.idx.add.s32.msk $0xffff, v2  }
0x9a: {  	v8 =	vld [tilespmem:s13+$0xF0]  }
0x9b: {  	[tilespmem:v6+s7+$0x0] =	vst.idx.add.s32.msk $0xffff, v2  }
0x9c: {  	v6 =	vld [tilespmem:s16+$0x880]  }
0x9d: {  	[tilespmem:v7+s7+$0x0] =	vst.idx.add.s32.msk $0xffff, v2;
	v7 =	vadd.s32 v1, v9  }
0x9e: {  	v9 =	vld [tilespmem:s16+$0x800]  }
0x9f: {  	v8 =	vadd.s32 v5, v8;
	_ =	sdelay $0x1  }
0xa0: {  	v6 =	vadd.s32 v1, v6  }
0xa1: {  	[tilespmem:v7+s7+$0x0] =	vst.idx.add.s32.msk $0xffff, v2  }
0xa2: {  	v7 =	vadd.s32 v1, v9;
	v9 =	vld [tilespmem:s13+$0x50]  }
0xa3: {  	[tilespmem:v8+s7+$0x0] =	vst.idx.add.s32.msk $0xffff, v2  }
0xa4: {  	v8 =	vld [tilespmem:s13+$0x480]  }
0xa5: {  	[tilespmem:v6+s7+$0x0] =	vst.idx.add.s32.msk $0xffff, v2  }
0xa6: {  	v6 =	vld [tilespmem:s16+$0x890]  }
0xa7: {  	[tilespmem:v7+s7+$0x0] =	vst.idx.add.s32.msk $0xffff, v2;
	v7 =	vadd.s32 v3, v9  }
0xa8: {  	v9 =	vld [tilespmem:s16+$0x810]  }
0xa9: {  	v8 =	vadd.s32 v1, v8;
	_ =	sdelay $0x1  }
0xaa: {  	v6 =	vadd.s32 v3, v6  }
0xab: {  	[tilespmem:v7+s7+$0x0] =	vst.idx.add.s32.msk $0xffff, v2  }
0xac: {  	v7 =	vadd.s32 v3, v9;
	v9 =	vld [tilespmem:s13+$0x60]  }
0xad: {  	[tilespmem:v8+s7+$0x0] =	vst.idx.add.s32.msk $0xffff, v2  }
0xae: {  	v8 =	vld [tilespmem:s13+$0x490]  }
0xaf: {  	[tilespmem:v6+s7+$0x0] =	vst.idx.add.s32.msk $0xffff, v2  }
0xb0: {  	v6 =	vld [tilespmem:s16+$0x8A0]  }
0xb1: {  	[tilespmem:v7+s7+$0x0] =	vst.idx.add.s32.msk $0xffff, v2;
	v7 =	vadd.s32 v4, v9  }
0xb2: {  	v9 =	vld [tilespmem:s16+$0x820]  }
0xb3: {  	v8 =	vadd.s32 v3, v8;
	_ =	sdelay $0x1  }
0xb4: {  	v6 =	vadd.s32 v4, v6  }
0xb5: {  	[tilespmem:v7+s7+$0x0] =	vst.idx.add.s32.msk $0xffff, v2  }
0xb6: {  	v7 =	vadd.s32 v4, v9;
	v9 =	vld [tilespmem:s13+$0x70]  }
0xb7: {  	[tilespmem:v8+s7+$0x0] =	vst.idx.add.s32.msk $0xffff, v2  }
0xb8: {  	v8 =	vld [tilespmem:s13+$0x4A0]  }
0xb9: {  	[tilespmem:v6+s7+$0x0] =	vst.idx.add.s32.msk $0xffff, v2  }
0xba: {  	v6 =	vld [tilespmem:s16+$0x8B0]  }
0xbb: {  	[tilespmem:v7+s7+$0x0] =	vst.idx.add.s32.msk $0xffff, v2;
	v7 =	vadd.s32 v5, v9  }
0xbc: {  	v9 =	vld [tilespmem:s16+$0x830];
	_ =	sdelay $0x1  }
0xbd: {  	v8 =	vadd.s32 v4, v8  }
0xbe: {  	v6 =	vadd.s32 v5, v6  }
0xbf: {  	[tilespmem:v7+s7+$0x0] =	vst.idx.add.s32.msk $0xffff, v2  }
0xc0: {  	v7 =	vadd.s32 v5, v9;
	v9 =	vld [tilespmem:s13+$0x400];
	_ =	sdelay $0x1  }
0xc1: {  	[tilespmem:v8+s7+$0x0] =	vst.idx.add.s32.msk $0xffff, v2  }
0xc2: {  	[tilespmem:v6+s7+$0x0] =	vst.idx.add.s32.msk $0xffff, v2  }
0xc3: {  	v6 =	vld [tilespmem:s16+$0x8C0]  }
0xc4: {  	[tilespmem:v7+s7+$0x0] =	vst.idx.add.s32.msk $0xffff, v2;
	v7 =	vadd.s32 v1, v9  }
0xc5: {  	v9 =	vld [tilespmem:s16+$0x840]  }
0xc6: {  	v8 =	vld [tilespmem:s13+$0x4B0];
	_ =	sdelay $0x1  }
0xc7: {  	v6 =	vadd.s32 v1, v6  }
0xc8: {  	[tilespmem:v7+s7+$0x0] =	vst.idx.add.s32.msk $0xffff, v2  }
0xc9: {  	v7 =	vadd.s32 v1, v9;
	v9 =	vld [tilespmem:s13+$0x410]  }
0xca: {  	v8 =	vadd.s32 v5, v8;
	_ =	sdelay $0x1  }
0xcb: {  	[tilespmem:v6+s7+$0x0] =	vst.idx.add.s32.msk $0xffff, v2  }
0xcc: {  	v6 =	vld [tilespmem:s16+$0x8D0]  }
0xcd: {  	[tilespmem:v7+s7+$0x0] =	vst.idx.add.s32.msk $0xffff, v2;
	v7 =	vadd.s32 v3, v9  }
0xce: {  	[tilespmem:v8+s7+$0x0] =	vst.idx.add.s32.msk $0xffff, v2  }
0xcf: {  	v8 =	vld [tilespmem:s13+$0x4C0]  }
0xd0: {  	v9 =	vld [tilespmem:s16+$0x850]  }
0xd1: {  	v6 =	vadd.s32 v3, v6  }
0xd2: {  	[tilespmem:v7+s7+$0x0] =	vst.idx.add.s32.msk $0xffff, v2  }
0xd3: {  	v7 =	vld [tilespmem:s13+$0x420]  }
0xd4: {  	v8 =	vadd.s32 v1, v8  }
0xd5: {  	v9 =	vadd.s32 v3, v9  }
0xd6: {  	[tilespmem:v6+s7+$0x0] =	vst.idx.add.s32.msk $0xffff, v2  }
0xd7: {  	v6 =	vld [tilespmem:s16+$0x8E0]  }
0xd8: {  	v7 =	vadd.s32 v4, v7  }
0xd9: {  	[tilespmem:v8+s7+$0x0] =	vst.idx.add.s32.msk $0xffff, v2  }
0xda: {  	[tilespmem:v9+s7+$0x0] =	vst.idx.add.s32.msk $0xffff, v2  }
0xdb: {  	v9 =	vld [tilespmem:s16+$0x860]  }
0xdc: {  	v8 =	vld [tilespmem:s13+$0x4D0];
	v6 =	vadd.s32 v4, v6  }
0xdd: {  	s15 =	simm.s32 $0x200;
	s14 =	simm.s32 $0x800;
	[tilespmem:v7+s7+$0x0] =	vst.idx.add.s32.msk $0xffff, v2  }
0xde: {  	s15 =	sand.u32 $0x300, s15;
	s17 =	sand.u32 $0xF000, s14;
	v7 =	vld [tilespmem:s13+$0x430]  }
0xdf: {  	s15 =	sor.u32 s15, s17  }
0xe0: {  	v10 =	vld [tilespmem:s15+$0x80];
	v9 =	vadd.s32 v4, v9  }
0xe1: {  	v8 =	vadd.s32 v3, v8;
	[tilespmem:v6+s7+$0x0] =	vst.idx.add.s32.msk $0xffff, v2  }
0xe2: {  	v6 =	vld [tilespmem:s16+$0x8F0]  }
0xe3: {  	v7 =	vadd.s32 v5, v7  }
0xe4: {  	v11 =	vld [tilespmem:s15+$0x0]  }
0xe5: {  	[tilespmem:v9+s7+$0x0] =	vst.idx.add.s32.msk $0xffff, v2;
	v9 =	vadd.s32 v1, v10  }
0xe6: {  	[tilespmem:v8+s7+$0x0] =	vst.idx.add.s32.msk $0xffff, v2  }
0xe7: {  	v8 =	vld [tilespmem:s13+$0x4E0];
	v6 =	vadd.s32 v5, v6  }
0xe8: {  	s29 =	sand.u32 $0x3, s11;
	[tilespmem:v7+s7+$0x0] =	vst.idx.add.s32.msk $0xffff, v2  }
0xe9: {  	s17 =	sshll.u32 s29, $0x8;
	v7 =	vadd.s32 v1, v11;
	v10 =	vld [tilespmem:s13+$0x440]  }
0xea: {  	s17 =	sadd.s32 $0x0, s17;
	[tilespmem:v9+s7+$0x0] =	vst.idx.add.s32.msk $0xffff, v2  }
0xeb: {  	s18 =	sadd.s32 $0x80, s17;
	v9 =	vld [tilespmem:s15+$0x90]  }
0xec: {  	s19 =	sor.u32 $0xC00, s18;
	[tilespmem:v6+s7+$0x0] =	vst.idx.add.s32.msk $0xffff, v2  }
0xed: {  	v8 =	vadd.s32 v4, v8;
	v6 =	vld [tilespmem:s19+$0x0]  }
0xee: {  	[tilespmem:v7+s7+$0x0] =	vst.idx.add.s32.msk $0xffff, v2;
	v10 =	vadd.s32 v1, v10  }
0xef: {  	v7 =	vld [tilespmem:s15+$0x10]  }
0xf0: {  	v9 =	vadd.s32 v3, v9  }
0xf1: {  	v11 =	vld [tilespmem:s16+$0x870]  }
0xf2: {  	[tilespmem:v8+s7+$0x0] =	vst.idx.add.s32.msk $0xffff, v2;
	v6 =	vadd.s32 v1, v6  }
0xf3: {  	[tilespmem:v10+s7+$0x0] =	vst.idx.add.s32.msk $0xffff, v2  }
0xf4: {  	v7 =	vadd.s32 v3, v7;
	v10 =	vld [tilespmem:s13+$0x450]  }
0xf5: {  	[tilespmem:v9+s7+$0x0] =	vst.idx.add.s32.msk $0xffff, v2  }
0xf6: {  	v9 =	vadd.s32 v5, v11;
	v11 =	vld [tilespmem:s15+$0xA0]  }
0xf7: {  	s30 =	sor.u32 $0xC10, s18;
	[tilespmem:v6+s7+$0x0] =	vst.idx.add.s32.msk $0xffff, v2  }
0xf8: {  	v6 =	vld [tilespmem:s30+$0x0]  }
0xf9: {  	[tilespmem:v7+s7+$0x0] =	vst.idx.add.s32.msk $0xffff, v2;
	v10 =	vadd.s32 v3, v10  }
0xfa: {  	v7 =	vld [tilespmem:s15+$0x20]  }
0xfb: {  	[tilespmem:v9+s7+$0x0] =	vst.idx.add.s32.msk $0xffff, v2;
	v9 =	vadd.s32 v4, v11  }
0xfc: {  	v8 =	vld [tilespmem:s13+$0x4F0]  }
0xfd: {  	v6 =	vadd.s32 v3, v6  }
0xfe: {  	[tilespmem:v10+s7+$0x0] =	vst.idx.add.s32.msk $0xffff, v2  }
0xff: {  	v7 =	vadd.s32 v4, v7;
	v10 =	vld [tilespmem:s13+$0x460]  }
0x100: {  	[tilespmem:v9+s7+$0x0] =	vst.idx.add.s32.msk $0xffff, v2  }
0x101: {  	v8 =	vadd.s32 v5, v8;
	v9 =	vld [tilespmem:s15+$0xB0]  }
0x102: {  	s31 =	sor.u32 $0xC20, s18;
	[tilespmem:v6+s7+$0x0] =	vst.idx.add.s32.msk $0xffff, v2  }
0x103: {  	v6 =	vld [tilespmem:s31+$0x0]  }
0x104: {  	[tilespmem:v7+s7+$0x0] =	vst.idx.add.s32.msk $0xffff, v2;
	v10 =	vadd.s32 v4, v10  }
0x105: {  	v7 =	vld [tilespmem:s15+$0x30]  }
0x106: {  	[tilespmem:v8+s7+$0x0] =	vst.idx.add.s32.msk $0xffff, v2;
	s19 =	sor.u32 $0xC00, s17;
	v9 =	vadd.s32 v5, v9  }
0x107: {  	v11 =	vld [tilespmem:s19+$0x0]  }
0x108: {  	v8 =	vld [tilespmem:s13+$0x880];
	v6 =	vadd.s32 v4, v6  }
0x109: {  	[tilespmem:v10+s7+$0x0] =	vst.idx.add.s32.msk $0xffff, v2  }
0x10a: {  	v7 =	vadd.s32 v5, v7;
	v10 =	vld [tilespmem:s13+$0x470]  }
0x10b: {  	[tilespmem:v9+s7+$0x0] =	vst.idx.add.s32.msk $0xffff, v2  }
0x10c: {  	v9 =	vadd.s32 v1, v11;
	v11 =	vld [tilespmem:s15+$0xC0]  }
0x10d: {  	s20 =	sor.u32 $0xC30, s18;
	[tilespmem:v6+s7+$0x0] =	vst.idx.add.s32.msk $0xffff, v2  }
0x10e: {  	v8 =	vadd.s32 v1, v8;
	v6 =	vld [tilespmem:s20+$0x0]  }
0x10f: {  	[tilespmem:v7+s7+$0x0] =	vst.idx.add.s32.msk $0xffff, v2;
	v10 =	vadd.s32 v5, v10  }
0x110: {  	v7 =	vld [tilespmem:s15+$0x40]  }
0x111: {  	[tilespmem:v9+s7+$0x0] =	vst.idx.add.s32.msk $0xffff, v2;
	v9 =	vadd.s32 v1, v11;
	_ =	sdelay $0x1  }
0x112: {  	[tilespmem:v8+s7+$0x0] =	vst.idx.add.s32.msk $0xffff, v2;
	v6 =	vadd.s32 v5, v6  }
0x113: {  	[tilespmem:v10+s7+$0x0] =	vst.idx.add.s32.msk $0xffff, v2  }
0x114: {  	v7 =	vadd.s32 v1, v7;
	v10 =	vld [tilespmem:s13+$0x800]  }
0x115: {  	[tilespmem:v9+s7+$0x0] =	vst.idx.add.s32.msk $0xffff, v2  }
0x116: {  	v9 =	vld [tilespmem:s15+$0xD0]  }
0x117: {  	s21 =	sor.u32 $0xC40, s18;
	[tilespmem:v6+s7+$0x0] =	vst.idx.add.s32.msk $0xffff, v2  }
0x118: {  	v6 =	vld [tilespmem:s21+$0x0]  }
0x119: {  	[tilespmem:v7+s7+$0x0] =	vst.idx.add.s32.msk $0xffff, v2;
	v10 =	vadd.s32 v1, v10  }
0x11a: {  	v7 =	vld [tilespmem:s15+$0x50]  }
0x11b: {  	s22 =	sor.u32 $0xC10, s17;
	v8 =	vld [tilespmem:s13+$0x890];
	v9 =	vadd.s32 v3, v9  }
0x11c: {  	v11 =	vld [tilespmem:s22+$0x0]  }
0x11d: {  	v6 =	vadd.s32 v1, v6  }
0x11e: {  	[tilespmem:v10+s7+$0x0] =	vst.idx.add.s32.msk $0xffff, v2  }
0x11f: {  	v7 =	vadd.s32 v3, v7;
	v10 =	vld [tilespmem:s13+$0x810]  }
0x120: {  	[tilespmem:v9+s7+$0x0] =	vst.idx.add.s32.msk $0xffff, v2  }
0x121: {  	v8 =	vadd.s32 v3, v8;
	v9 =	vadd.s32 v3, v11;
	v11 =	vld [tilespmem:s15+$0xE0]  }
0x122: {  	s23 =	sor.u32 $0xC50, s18;
	[tilespmem:v6+s7+$0x0] =	vst.idx.add.s32.msk $0xffff, v2  }
0x123: {  	v6 =	vld [tilespmem:s23+$0x0]  }
0x124: {  	[tilespmem:v7+s7+$0x0] =	vst.idx.add.s32.msk $0xffff, v2;
	v10 =	vadd.s32 v3, v10  }
0x125: {  	v7 =	vld [tilespmem:s15+$0x60]  }
0x126: {  	[tilespmem:v8+s7+$0x0] =	vst.idx.add.s32.msk $0xffff, v2  }
0x127: {  	[tilespmem:v9+s7+$0x0] =	vst.idx.add.s32.msk $0xffff, v2;
	v9 =	vadd.s32 v4, v11  }
0x128: {  	v8 =	vld [tilespmem:s13+$0x8A0];
	v6 =	vadd.s32 v3, v6  }
0x129: {  	[tilespmem:v10+s7+$0x0] =	vst.idx.add.s32.msk $0xffff, v2  }
0x12a: {  	s24 =	sor.u32 $0xC20, s17;
	v7 =	vadd.s32 v4, v7;
	v10 =	vld [tilespmem:s13+$0x820]  }
0x12b: {  	v11 =	vld [tilespmem:s24+$0x0]  }
0x12c: {  	[tilespmem:v9+s7+$0x0] =	vst.idx.add.s32.msk $0xffff, v2  }
0x12d: {  	[tilespmem:v6+s7+$0x0] =	vst.idx.add.s32.msk $0xffff, v2;
	v6 =	vadd.s32 v4, v8  }
0x12e: {  	v8 =	vld [tilespmem:s15+$0xF0]  }
0x12f: {  	[tilespmem:v7+s7+$0x0] =	vst.idx.add.s32.msk $0xffff, v2;
	v9 =	vadd.s32 v4, v10  }
0x130: {  	s25 =	sor.u32 $0xC60, s18;
	v7 =	vld [tilespmem:s15+$0x70];
	v10 =	vadd.s32 v4, v11  }
0x131: {  	v11 =	vld [tilespmem:s25+$0x0]  }
0x132: {  	[tilespmem:v6+s7+$0x0] =	vst.idx.add.s32.msk $0xffff, v2  }
0x133: {  	v8 =	vadd.s32 v5, v8;
	v6 =	vld [tilespmem:s13+$0x8B0]  }
0x134: {  	[tilespmem:v9+s7+$0x0] =	vst.idx.add.s32.msk $0xffff, v2  }
0x135: {  	[tilespmem:v10+s7+$0x0] =	vst.idx.add.s32.msk $0xffff, v2  }
0x136: {  	s26 =	sor.u32 $0xC30, s17;
	v7 =	vadd.s32 v5, v7;
	v9 =	vld [tilespmem:s13+$0x830]  }
0x137: {  	v10 =	vld [tilespmem:s26+$0x0]  }
0x138: {  	[tilespmem:v8+s7+$0x0] =	vst.idx.add.s32.msk $0xffff, v2;
	v6 =	vadd.s32 v5, v6  }
0x139: {  	v8 =	vadd.s32 v4, v11;
	v11 =	vld [tilespmem:s15+$0x480];
	_ =	sdelay $0x1  }
0x13a: {  	[tilespmem:v7+s7+$0x0] =	vst.idx.add.s32.msk $0xffff, v2;
	v9 =	vadd.s32 v5, v9  }
0x13b: {  	v7 =	vld [tilespmem:s15+$0x400]  }
0x13c: {  	[tilespmem:v6+s7+$0x0] =	vst.idx.add.s32.msk $0xffff, v2;
	v6 =	vadd.s32 v5, v10  }
0x13d: {  	[tilespmem:v8+s7+$0x0] =	vst.idx.add.s32.msk $0xffff, v2;
	v8 =	vadd.s32 v1, v11  }
0x13e: {  	v10 =	vld [tilespmem:s13+$0x8C0]  }
0x13f: {  	[tilespmem:v9+s7+$0x0] =	vst.idx.add.s32.msk $0xffff, v2  }
0x140: {  	v9 =	vld [tilespmem:s13+$0x840]  }
0x141: {  	v7 =	vadd.s32 v1, v7;
	[tilespmem:v6+s7+$0x0] =	vst.idx.add.s32.msk $0xffff, v2  }
0x142: {  	s28 =	sor.u32 $0xC40, s17;
	[tilespmem:v8+s7+$0x0] =	vst.idx.add.s32.msk $0xffff, v2  }
0x143: {  	v6 =	vadd.s32 v1, v10;
	v10 =	vld [tilespmem:s28+$0x0]  }
0x144: {  	v8 =	vld [tilespmem:s15+$0x490];
	_ =	sdelay $0x1  }
0x145: {  	[tilespmem:v7+s7+$0x0] =	vst.idx.add.s32.msk $0xffff, v2;
	v9 =	vadd.s32 v1, v9  }
0x146: {  	v7 =	vld [tilespmem:s15+$0x410]  }
0x147: {  	s29 =	sor.u32 $0xC70, s18;
	[tilespmem:v6+s7+$0x0] =	vst.idx.add.s32.msk $0xffff, v2;
	v6 =	vadd.s32 v1, v10  }
0x148: {  	v11 =	vld [tilespmem:s29+$0x0];
	v8 =	vadd.s32 v3, v8  }
0x149: {  	v10 =	vld [tilespmem:s13+$0x8D0]  }
0x14a: {  	[tilespmem:v9+s7+$0x0] =	vst.idx.add.s32.msk $0xffff, v2  }
0x14b: {  	v7 =	vadd.s32 v3, v7;
	v9 =	vld [tilespmem:s13+$0x850]  }
0x14c: {  	[tilespmem:v6+s7+$0x0] =	vst.idx.add.s32.msk $0xffff, v2  }
0x14d: {  	s30 =	sor.u32 $0xC50, s17;
	[tilespmem:v8+s7+$0x0] =	vst.idx.add.s32.msk $0xffff, v2;
	v8 =	vadd.s32 v5, v11  }
0x14e: {  	v6 =	vadd.s32 v3, v10;
	v10 =	vld [tilespmem:s30+$0x0]  }
0x14f: {  	v11 =	vld [tilespmem:s15+$0x4A0]  }
0x150: {  	[tilespmem:v7+s7+$0x0] =	vst.idx.add.s32.msk $0xffff, v2;
	v9 =	vadd.s32 v3, v9  }
0x151: {  	v7 =	vld [tilespmem:s15+$0x420]  }
0x152: {  	[tilespmem:v8+s7+$0x0] =	vst.idx.add.s32.msk $0xffff, v2  }
0x153: {  	[tilespmem:v6+s7+$0x0] =	vst.idx.add.s32.msk $0xffff, v2;
	v6 =	vadd.s32 v3, v10  }
0x154: {  	v8 =	vadd.s32 v4, v11;
	v10 =	vld [tilespmem:s13+$0x8E0]  }
0x155: {  	[tilespmem:v9+s7+$0x0] =	vst.idx.add.s32.msk $0xffff, v2  }
0x156: {  	v11 =	vld [tilespmem:s13+$0x860]  }
0x157: {  	v7 =	vadd.s32 v4, v7  }
0x158: {  	[tilespmem:v6+s7+$0x0] =	vst.idx.add.s32.msk $0xffff, v2  }
0x159: {  	s31 =	sor.u32 $0xC60, s17;
	[tilespmem:v8+s7+$0x0] =	vst.idx.add.s32.msk $0xffff, v2;
	v6 =	vadd.s32 v4, v10  }
0x15a: {  	v12 =	vld [tilespmem:s31+$0x0]  }
0x15b: {  	v10 =	vld [tilespmem:s15+$0x4B0];
	v8 =	vadd.s32 v4, v11  }
0x15c: {  	[tilespmem:v7+s7+$0x0] =	vst.idx.add.s32.msk $0xffff, v2  }
0x15d: {  	v9 =	vld [tilespmem:s15+$0x430]  }
0x15e: {  	s18 =	simm.s32 $0x4;
	s16 =	sor.u32 $0xC70, s17;
	[tilespmem:v6+s7+$0x0] =	vst.idx.add.s32.msk $0xffff, v2  }
0x15f: {  	s19 =	simm.s32 $0x300;
	s17 =	simm.s32 $0x0;
	s20 =	simm.s32 $0xC00;
	v6 =	vadd.s32 v4, v12;
	v7 =	vld [tilespmem:s13+$0x8F0]  }
.LBB2_4:
0x160: {  	s21 =	sand.u32 $0xF000, s20;
	s22 =	sand.u32 $0x300, s19;
	s18 =	sadd.s32 $0x2, s18;
	v10 =	vadd.s32 v5, v10;
	[tilespmem:v8+s7+$0x0] =	vst.idx.add.s32.msk $0xffff, v2  }
0x161: {  	p0 =	slt.u32 s18, $0x7E;
	v8 =	vld [tilespmem:s13+$0x870];
	s13 =	smov.u32 s15;
	s15 =	sor.u32 s22, s21  }
0x162: {  	v11 =	vld [tilespmem:s15+$0x80];
	v9 =	vadd.s32 v5, v9  }
0x163: {  	v12 =	vld [tilespmem:s15+$0x0]  }
0x164: {  	s17 =	sadd.s32 $0x1, s17;
	v7 =	vadd.s32 v5, v7;
	[tilespmem:v6+s7+$0x0] =	vst.idx.add.s32.msk $0xffff, v2  }
0x165: {  	s21 =	sand.u32 $0x3, s17;
	[tilespmem:v10+s7+$0x0] =	vst.idx.add.s32.msk $0xffff, v2  }
0x166: {  	s21 =	sshll.u32 s21, $0x8;
	v6 =	vld [tilespmem:s13+$0x4C0];
	v8 =	vadd.s32 v5, v8  }
0x167: {  	s23 =	sadd.s32 s21, s12;
	s12 =	smov.u32 s14;
	s14 =	smov.u32 s20;
	v10 =	vadd.s32 v1, v11;
	[tilespmem:v9+s7+$0x0] =	vst.idx.add.s32.msk $0xffff, v2  }
0x168: {  	s30 =	sor.u32 $0xC00, s23;
	s29 =	sor.u32 $0xC10, s23;
	s26 =	sadd.s32 $0x80, s23;
	v9 =	vadd.s32 v1, v12;
	v11 =	vld [tilespmem:s13+$0x440]  }
0x169: {  	s28 =	sor.u32 $0xC20, s23;
	s25 =	sor.u32 $0xC30, s23;
	s31 =	sor.u32 $0xC00, s26;
	[tilespmem:v7+s7+$0x0] =	vst.idx.add.s32.msk $0xffff, v2  }
0x16a: {  	s24 =	sor.u32 $0xC40, s23;
	s22 =	sor.u32 $0xC50, s23;
	s21 =	sor.u32 $0xC60, s23;
	v7 =	vld [tilespmem:s31+$0x0]  }
0x16b: {  	s23 =	sor.u32 $0xC70, s23;
	v6 =	vadd.s32 v1, v6;
	[tilespmem:v8+s7+$0x0] =	vst.idx.add.s32.msk $0xffff, v2  }
0x16c: {  	[tilespmem:v10+s7+$0x0] =	vst.idx.add.s32.msk $0xffff, v2  }
0x16d: {  	v8 =	vld [tilespmem:s15+$0x90];
	v10 =	vadd.s32 v1, v11  }
0x16e: {  	[tilespmem:v9+s7+$0x0] =	vst.idx.add.s32.msk $0xffff, v2  }
0x16f: {  	v9 =	vld [tilespmem:s15+$0x10];
	v7 =	vadd.s32 v1, v7  }
0x170: {  	[tilespmem:v6+s7+$0x0] =	vst.idx.add.s32.msk $0xffff, v2  }
0x171: {  	v6 =	vld [tilespmem:s13+$0x4D0]  }
0x172: {  	v8 =	vadd.s32 v3, v8;
	[tilespmem:v10+s7+$0x0] =	vst.idx.add.s32.msk $0xffff, v2  }
0x173: {  	v10 =	vld [tilespmem:s13+$0x450]  }
0x174: {  	s31 =	sor.u32 $0xC10, s26;
	v9 =	vadd.s32 v3, v9;
	[tilespmem:v7+s7+$0x0] =	vst.idx.add.s32.msk $0xffff, v2  }
0x175: {  	v7 =	vld [tilespmem:s31+$0x0]  }
0x176: {  	v6 =	vadd.s32 v3, v6;
	v11 =	vld [tilespmem:s30+$0x0]  }
0x177: {  	[tilespmem:v8+s7+$0x0] =	vst.idx.add.s32.msk $0xffff, v2  }
0x178: {  	v8 =	vld [tilespmem:s15+$0xA0];
	v10 =	vadd.s32 v3, v10  }
0x179: {  	[tilespmem:v9+s7+$0x0] =	vst.idx.add.s32.msk $0xffff, v2  }
0x17a: {  	v9 =	vld [tilespmem:s15+$0x20];
	v7 =	vadd.s32 v3, v7  }
0x17b: {  	[tilespmem:v6+s7+$0x0] =	vst.idx.add.s32.msk $0xffff, v2;
	v6 =	vadd.s32 v1, v11  }
0x17c: {  	v11 =	vld [tilespmem:s13+$0x4E0]  }
0x17d: {  	v8 =	vadd.s32 v4, v8;
	[tilespmem:v10+s7+$0x0] =	vst.idx.add.s32.msk $0xffff, v2  }
0x17e: {  	v10 =	vld [tilespmem:s13+$0x460]  }
0x17f: {  	s30 =	sor.u32 $0xC20, s26;
	v9 =	vadd.s32 v4, v9;
	[tilespmem:v7+s7+$0x0] =	vst.idx.add.s32.msk $0xffff, v2  }
0x180: {  	v7 =	vld [tilespmem:s30+$0x0]  }
0x181: {  	v11 =	vadd.s32 v4, v11;
	[tilespmem:v6+s7+$0x0] =	vst.idx.add.s32.msk $0xffff, v2  }
0x182: {  	[tilespmem:v8+s7+$0x0] =	vst.idx.add.s32.msk $0xffff, v2  }
0x183: {  	v6 =	vld [tilespmem:s15+$0xB0];
	v8 =	vadd.s32 v4, v10  }
0x184: {  	[tilespmem:v9+s7+$0x0] =	vst.idx.add.s32.msk $0xffff, v2  }
0x185: {  	v9 =	vld [tilespmem:s15+$0x30];
	v7 =	vadd.s32 v4, v7  }
0x186: {  	[tilespmem:v11+s7+$0x0] =	vst.idx.add.s32.msk $0xffff, v2  }
0x187: {  	v10 =	vld [tilespmem:s13+$0x4F0]  }
0x188: {  	v6 =	vadd.s32 v5, v6;
	[tilespmem:v8+s7+$0x0] =	vst.idx.add.s32.msk $0xffff, v2  }
0x189: {  	v8 =	vld [tilespmem:s13+$0x470]  }
0x18a: {  	s30 =	sor.u32 $0xC30, s26;
	v9 =	vadd.s32 v5, v9;
	[tilespmem:v7+s7+$0x0] =	vst.idx.add.s32.msk $0xffff, v2  }
0x18b: {  	v7 =	vld [tilespmem:s30+$0x0]  }
0x18c: {  	v10 =	vadd.s32 v5, v10;
	v11 =	vld [tilespmem:s29+$0x0]  }
0x18d: {  	[tilespmem:v6+s7+$0x0] =	vst.idx.add.s32.msk $0xffff, v2  }
0x18e: {  	v6 =	vld [tilespmem:s15+$0xC0];
	v8 =	vadd.s32 v5, v8  }
0x18f: {  	[tilespmem:v9+s7+$0x0] =	vst.idx.add.s32.msk $0xffff, v2  }
0x190: {  	v9 =	vld [tilespmem:s15+$0x40];
	v7 =	vadd.s32 v5, v7  }
0x191: {  	[tilespmem:v10+s7+$0x0] =	vst.idx.add.s32.msk $0xffff, v2;
	v10 =	vadd.s32 v3, v11  }
0x192: {  	v11 =	vld [tilespmem:s13+$0x880]  }
0x193: {  	v6 =	vadd.s32 v1, v6;
	[tilespmem:v8+s7+$0x0] =	vst.idx.add.s32.msk $0xffff, v2  }
0x194: {  	v8 =	vld [tilespmem:s13+$0x800]  }
0x195: {  	s29 =	sor.u32 $0xC40, s26;
	v9 =	vadd.s32 v1, v9;
	[tilespmem:v7+s7+$0x0] =	vst.idx.add.s32.msk $0xffff, v2  }
0x196: {  	v7 =	vld [tilespmem:s29+$0x0]  }
0x197: {  	v11 =	vadd.s32 v1, v11;
	[tilespmem:v10+s7+$0x0] =	vst.idx.add.s32.msk $0xffff, v2  }
0x198: {  	[tilespmem:v6+s7+$0x0] =	vst.idx.add.s32.msk $0xffff, v2  }
0x199: {  	v6 =	vld [tilespmem:s15+$0xD0];
	v8 =	vadd.s32 v1, v8  }
0x19a: {  	[tilespmem:v9+s7+$0x0] =	vst.idx.add.s32.msk $0xffff, v2  }
0x19b: {  	v9 =	vld [tilespmem:s15+$0x50];
	v7 =	vadd.s32 v1, v7  }
0x19c: {  	[tilespmem:v11+s7+$0x0] =	vst.idx.add.s32.msk $0xffff, v2  }
0x19d: {  	v10 =	vld [tilespmem:s13+$0x890]  }
0x19e: {  	v6 =	vadd.s32 v3, v6;
	[tilespmem:v8+s7+$0x0] =	vst.idx.add.s32.msk $0xffff, v2  }
0x19f: {  	v8 =	vld [tilespmem:s13+$0x810]  }
0x1a0: {  	s29 =	sor.u32 $0xC50, s26;
	v9 =	vadd.s32 v3, v9;
	[tilespmem:v7+s7+$0x0] =	vst.idx.add.s32.msk $0xffff, v2  }
0x1a1: {  	v7 =	vld [tilespmem:s29+$0x0]  }
0x1a2: {  	v10 =	vadd.s32 v3, v10;
	v11 =	vld [tilespmem:s28+$0x0]  }
0x1a3: {  	[tilespmem:v6+s7+$0x0] =	vst.idx.add.s32.msk $0xffff, v2  }
0x1a4: {  	v6 =	vld [tilespmem:s15+$0xE0];
	v8 =	vadd.s32 v3, v8  }
0x1a5: {  	[tilespmem:v9+s7+$0x0] =	vst.idx.add.s32.msk $0xffff, v2  }
0x1a6: {  	v9 =	vld [tilespmem:s15+$0x60];
	v7 =	vadd.s32 v3, v7  }
0x1a7: {  	[tilespmem:v10+s7+$0x0] =	vst.idx.add.s32.msk $0xffff, v2;
	v10 =	vadd.s32 v4, v11  }
0x1a8: {  	v11 =	vld [tilespmem:s13+$0x8A0]  }
0x1a9: {  	v6 =	vadd.s32 v4, v6;
	[tilespmem:v8+s7+$0x0] =	vst.idx.add.s32.msk $0xffff, v2  }
0x1aa: {  	v8 =	vld [tilespmem:s13+$0x820]  }
0x1ab: {  	s28 =	sor.u32 $0xC60, s26;
	v9 =	vadd.s32 v4, v9;
	[tilespmem:v7+s7+$0x0] =	vst.idx.add.s32.msk $0xffff, v2  }
0x1ac: {  	v7 =	vld [tilespmem:s28+$0x0]  }
0x1ad: {  	v11 =	vadd.s32 v4, v11;
	[tilespmem:v10+s7+$0x0] =	vst.idx.add.s32.msk $0xffff, v2  }
0x1ae: {  	[tilespmem:v6+s7+$0x0] =	vst.idx.add.s32.msk $0xffff, v2  }
0x1af: {  	v6 =	vld [tilespmem:s15+$0xF0];
	v8 =	vadd.s32 v4, v8  }
0x1b0: {  	[tilespmem:v9+s7+$0x0] =	vst.idx.add.s32.msk $0xffff, v2  }
0x1b1: {  	v9 =	vld [tilespmem:s15+$0x70];
	v7 =	vadd.s32 v4, v7  }
0x1b2: {  	[tilespmem:v11+s7+$0x0] =	vst.idx.add.s32.msk $0xffff, v2  }
0x1b3: {  	v10 =	vld [tilespmem:s13+$0x8B0]  }
0x1b4: {  	v6 =	vadd.s32 v5, v6;
	[tilespmem:v8+s7+$0x0] =	vst.idx.add.s32.msk $0xffff, v2  }
0x1b5: {  	v8 =	vld [tilespmem:s13+$0x830]  }
0x1b6: {  	s26 =	sor.u32 $0xC70, s26;
	v9 =	vadd.s32 v5, v9;
	[tilespmem:v7+s7+$0x0] =	vst.idx.add.s32.msk $0xffff, v2  }
0x1b7: {  	v7 =	vld [tilespmem:s26+$0x0]  }
0x1b8: {  	v10 =	vadd.s32 v5, v10;
	v11 =	vld [tilespmem:s25+$0x0]  }
0x1b9: {  	[tilespmem:v6+s7+$0x0] =	vst.idx.add.s32.msk $0xffff, v2  }
0x1ba: {  	v6 =	vld [tilespmem:s15+$0x480];
	v8 =	vadd.s32 v5, v8  }
0x1bb: {  	[tilespmem:v9+s7+$0x0] =	vst.idx.add.s32.msk $0xffff, v2  }
0x1bc: {  	v9 =	vld [tilespmem:s15+$0x400];
	v7 =	vadd.s32 v5, v7  }
0x1bd: {  	[tilespmem:v10+s7+$0x0] =	vst.idx.add.s32.msk $0xffff, v2;
	v10 =	vadd.s32 v5, v11  }
0x1be: {  	v11 =	vld [tilespmem:s13+$0x8C0]  }
0x1bf: {  	v6 =	vadd.s32 v1, v6;
	[tilespmem:v8+s7+$0x0] =	vst.idx.add.s32.msk $0xffff, v2  }
0x1c0: {  	v8 =	vld [tilespmem:s13+$0x840]  }
0x1c1: {  	v9 =	vadd.s32 v1, v9;
	[tilespmem:v7+s7+$0x0] =	vst.idx.add.s32.msk $0xffff, v2  }
0x1c2: {  	[tilespmem:v10+s7+$0x0] =	vst.idx.add.s32.msk $0xffff, v2  }
0x1c3: {  	v7 =	vadd.s32 v1, v11;
	v10 =	vld [tilespmem:s24+$0x0]  }
0x1c4: {  	[tilespmem:v6+s7+$0x0] =	vst.idx.add.s32.msk $0xffff, v2  }
0x1c5: {  	v6 =	vld [tilespmem:s15+$0x490];
	v8 =	vadd.s32 v1, v8  }
0x1c6: {  	[tilespmem:v9+s7+$0x0] =	vst.idx.add.s32.msk $0xffff, v2  }
0x1c7: {  	v9 =	vld [tilespmem:s15+$0x410]  }
0x1c8: {  	[tilespmem:v7+s7+$0x0] =	vst.idx.add.s32.msk $0xffff, v2;
	v7 =	vadd.s32 v1, v10  }
0x1c9: {  	v10 =	vld [tilespmem:s13+$0x8D0]  }
0x1ca: {  	v6 =	vadd.s32 v3, v6;
	[tilespmem:v8+s7+$0x0] =	vst.idx.add.s32.msk $0xffff, v2  }
0x1cb: {  	v8 =	vld [tilespmem:s13+$0x850]  }
0x1cc: {  	v9 =	vadd.s32 v3, v9;
	v11 =	vld [tilespmem:s16+$0x0];
	s16 =	smov.u32 s23  }
0x1cd: {  	[tilespmem:v7+s7+$0x0] =	vst.idx.add.s32.msk $0xffff, v2  }
0x1ce: {  	v7 =	vadd.s32 v3, v10;
	v10 =	vld [tilespmem:s22+$0x0]  }
0x1cf: {  	[tilespmem:v6+s7+$0x0] =	vst.idx.add.s32.msk $0xffff, v2  }
0x1d0: {  	v6 =	vld [tilespmem:s15+$0x4A0];
	v8 =	vadd.s32 v3, v8  }
0x1d1: {  	[tilespmem:v9+s7+$0x0] =	vst.idx.add.s32.msk $0xffff, v2;
	v9 =	vadd.s32 v5, v11  }
0x1d2: {  	v11 =	vld [tilespmem:s15+$0x420]  }
0x1d3: {  	[tilespmem:v7+s7+$0x0] =	vst.idx.add.s32.msk $0xffff, v2;
	v7 =	vadd.s32 v3, v10  }
0x1d4: {  	v10 =	vld [tilespmem:s13+$0x8E0]  }
0x1d5: {  	v6 =	vadd.s32 v4, v6;
	[tilespmem:v8+s7+$0x0] =	vst.idx.add.s32.msk $0xffff, v2  }
0x1d6: {  	v8 =	vld [tilespmem:s13+$0x860]  }
0x1d7: {  	v11 =	vadd.s32 v4, v11;
	[tilespmem:v9+s7+$0x0] =	vst.idx.add.s32.msk $0xffff, v2  }
0x1d8: {  	[tilespmem:v7+s7+$0x0] =	vst.idx.add.s32.msk $0xffff, v2  }
0x1d9: {  	v7 =	vadd.s32 v4, v10;
	v12 =	vld [tilespmem:s21+$0x0]  }
0x1da: {  	[tilespmem:v6+s7+$0x0] =	vst.idx.add.s32.msk $0xffff, v2  }
.Ltmp1:
0x1db: {  	v10 =	vld [tilespmem:s15+$0x4B0];
	v8 =	vadd.s32 v4, v8;
	(pc) =	sbr.rel @p0 .LBB2_4-.Ltmp1, $4  }
0x1dc: {  	[tilespmem:v11+s7+$0x0] =	vst.idx.add.s32.msk $0xffff, v2  }
0x1dd: {  	v9 =	vld [tilespmem:s15+$0x430]  }
0x1de: {  	[tilespmem:v7+s7+$0x0] =	vst.idx.add.s32.msk $0xffff, v2;
	v6 =	vadd.s32 v4, v12  }
0x1df: {  	s19 =	sadd.s32 $0x100, s19;
	s20 =	sadd.s32 $0x400, s20;
	v7 =	vld [tilespmem:s13+$0x8F0]  }
0x1e0: {  	v10 =	vadd.s32 v5, v10;
	_ =	sdelay $0x1  }
0x1e1: {  	v9 =	vadd.s32 v5, v9;
	_ =	sdelay $0x2  }
0x1e2: {  	[tilespmem:v10+s7+$0x0] =	vst.idx.add.s32.msk $0xffff, v2  }
0x1e3: {  	v10 =	vld [tilespmem:s15+$0x4C0]  }
0x1e4: {  	[tilespmem:v9+s7+$0x0] =	vst.idx.add.s32.msk $0xffff, v2  }
0x1e5: {  	v9 =	vld [tilespmem:s15+$0x440];
	_ =	sdelay $0x2  }
0x1e6: {  	v10 =	vadd.s32 v1, v10;
	_ =	sdelay $0x1  }
0x1e7: {  	v9 =	vadd.s32 v1, v9;
	_ =	sdelay $0x2  }
0x1e8: {  	[tilespmem:v10+s7+$0x0] =	vst.idx.add.s32.msk $0xffff, v2  }
0x1e9: {  	v10 =	vld [tilespmem:s15+$0x4D0]  }
0x1ea: {  	[tilespmem:v9+s7+$0x0] =	vst.idx.add.s32.msk $0xffff, v2  }
0x1eb: {  	v9 =	vld [tilespmem:s15+$0x450];
	_ =	sdelay $0x2  }
0x1ec: {  	v10 =	vadd.s32 v3, v10;
	_ =	sdelay $0x1  }
0x1ed: {  	v9 =	vadd.s32 v3, v9;
	_ =	sdelay $0x2  }
0x1ee: {  	[tilespmem:v10+s7+$0x0] =	vst.idx.add.s32.msk $0xffff, v2  }
0x1ef: {  	v10 =	vld [tilespmem:s15+$0x4E0]  }
0x1f0: {  	[tilespmem:v9+s7+$0x0] =	vst.idx.add.s32.msk $0xffff, v2  }
0x1f1: {  	v9 =	vld [tilespmem:s15+$0x460];
	_ =	sdelay $0x2  }
0x1f2: {  	v10 =	vadd.s32 v4, v10;
	_ =	sdelay $0x1  }
0x1f3: {  	v9 =	vadd.s32 v4, v9;
	_ =	sdelay $0x2  }
0x1f4: {  	[tilespmem:v10+s7+$0x0] =	vst.idx.add.s32.msk $0xffff, v2  }
0x1f5: {  	v10 =	vld [tilespmem:s15+$0x4F0]  }
0x1f6: {  	[tilespmem:v9+s7+$0x0] =	vst.idx.add.s32.msk $0xffff, v2  }
0x1f7: {  	v9 =	vld [tilespmem:s15+$0x470];
	_ =	sdelay $0x2  }
0x1f8: {  	v10 =	vadd.s32 v5, v10;
	_ =	sdelay $0x1  }
0x1f9: {  	v9 =	vadd.s32 v5, v9;
	_ =	sdelay $0x2  }
0x1fa: {  	[tilespmem:v10+s7+$0x0] =	vst.idx.add.s32.msk $0xffff, v2  }
0x1fb: {  	v10 =	vld [tilespmem:s15+$0x880]  }
0x1fc: {  	[tilespmem:v9+s7+$0x0] =	vst.idx.add.s32.msk $0xffff, v2  }
0x1fd: {  	v9 =	vld [tilespmem:s15+$0x800];
	_ =	sdelay $0x2  }
0x1fe: {  	v10 =	vadd.s32 v1, v10;
	_ =	sdelay $0x1  }
0x1ff: {  	v9 =	vadd.s32 v1, v9;
	_ =	sdelay $0x2  }
0x200: {  	[tilespmem:v10+s7+$0x0] =	vst.idx.add.s32.msk $0xffff, v2  }
0x201: {  	v10 =	vld [tilespmem:s15+$0x890]  }
0x202: {  	[tilespmem:v9+s7+$0x0] =	vst.idx.add.s32.msk $0xffff, v2  }
0x203: {  	v9 =	vld [tilespmem:s15+$0x810];
	_ =	sdelay $0x2  }
0x204: {  	v10 =	vadd.s32 v3, v10;
	_ =	sdelay $0x1  }
0x205: {  	v9 =	vadd.s32 v3, v9;
	_ =	sdelay $0x2  }
0x206: {  	[tilespmem:v10+s7+$0x0] =	vst.idx.add.s32.msk $0xffff, v2  }
0x207: {  	v10 =	vld [tilespmem:s15+$0x8A0]  }
0x208: {  	[tilespmem:v9+s7+$0x0] =	vst.idx.add.s32.msk $0xffff, v2  }
0x209: {  	v9 =	vld [tilespmem:s15+$0x820];
	_ =	sdelay $0x2  }
0x20a: {  	v10 =	vadd.s32 v4, v10;
	_ =	sdelay $0x1  }
0x20b: {  	v9 =	vadd.s32 v4, v9;
	_ =	sdelay $0x2  }
0x20c: {  	[tilespmem:v10+s7+$0x0] =	vst.idx.add.s32.msk $0xffff, v2  }
0x20d: {  	v10 =	vld [tilespmem:s15+$0x8B0]  }
0x20e: {  	[tilespmem:v9+s7+$0x0] =	vst.idx.add.s32.msk $0xffff, v2  }
0x20f: {  	v9 =	vld [tilespmem:s15+$0x830];
	_ =	sdelay $0x2  }
0x210: {  	v10 =	vadd.s32 v5, v10;
	_ =	sdelay $0x1  }
0x211: {  	v9 =	vadd.s32 v5, v9;
	_ =	sdelay $0x2  }
0x212: {  	[tilespmem:v10+s7+$0x0] =	vst.idx.add.s32.msk $0xffff, v2  }
0x213: {  	v10 =	vld [tilespmem:s15+$0x8C0]  }
0x214: {  	[tilespmem:v9+s7+$0x0] =	vst.idx.add.s32.msk $0xffff, v2  }
0x215: {  	v9 =	vld [tilespmem:s15+$0x840];
	_ =	sdelay $0x2  }
0x216: {  	v10 =	vadd.s32 v1, v10;
	_ =	sdelay $0x1  }
0x217: {  	v9 =	vadd.s32 v1, v9;
	_ =	sdelay $0x2  }
0x218: {  	[tilespmem:v10+s7+$0x0] =	vst.idx.add.s32.msk $0xffff, v2  }
0x219: {  	v10 =	vld [tilespmem:s15+$0x8D0]  }
0x21a: {  	[tilespmem:v9+s7+$0x0] =	vst.idx.add.s32.msk $0xffff, v2  }
0x21b: {  	v9 =	vld [tilespmem:s15+$0x850];
	_ =	sdelay $0x2  }
0x21c: {  	v10 =	vadd.s32 v3, v10;
	_ =	sdelay $0x1  }
0x21d: {  	v9 =	vadd.s32 v3, v9;
	_ =	sdelay $0x2  }
0x21e: {  	[tilespmem:v10+s7+$0x0] =	vst.idx.add.s32.msk $0xffff, v2  }
0x21f: {  	v10 =	vld [tilespmem:s15+$0x8E0]  }
0x220: {  	[tilespmem:v9+s7+$0x0] =	vst.idx.add.s32.msk $0xffff, v2  }
0x221: {  	v9 =	vld [tilespmem:s15+$0x860];
	_ =	sdelay $0x2  }
0x222: {  	v10 =	vadd.s32 v4, v10;
	_ =	sdelay $0x1  }
0x223: {  	[tilespmem:v8+s7+$0x0] =	vst.idx.add.s32.msk $0xffff, v2;
	v8 =	vadd.s32 v4, v9  }
0x224: {  	v9 =	vld [tilespmem:s13+$0x870];
	_ =	sdelay $0x1  }
0x225: {  	[tilespmem:v10+s7+$0x0] =	vst.idx.add.s32.msk $0xffff, v2  }
0x226: {  	s17 =	sadd.s32 $0x1, s17;
	v7 =	vadd.s32 v5, v7;
	v10 =	vld [tilespmem:s15+$0x8F0]  }
0x227: {  	s21 =	sand.u32 $0x3, s17;
	[tilespmem:v8+s7+$0x0] =	vst.idx.add.s32.msk $0xffff, v2  }
0x228: {  	s13 =	sshll.u32 s21, $0x8;
	v8 =	vadd.s32 v5, v9;
	v9 =	vld [tilespmem:s15+$0x870]  }
0x229: {  	s12 =	sadd.s32 s13, s12  }
0x22a: {  	s13 =	sadd.s32 $0x80, s12  }
0x22b: {  	s22 =	sadd.s32 $0x1, s17;
	[tilespmem:v7+s7+$0x0] =	vst.idx.add.s32.msk $0xffff, v2;
	s23 =	sor.u32 $0xC00, s13;
	v10 =	vadd.s32 v5, v10  }
0x22c: {  	v7 =	vld [tilespmem:s23+$0x0];
	s15 =	sand.u32 $0x3, s22  }
0x22d: {  	s24 =	sor.u32 $0xC00, s12;
	s15 =	sshll.u32 s15, $0x8;
	[tilespmem:v8+s7+$0x0] =	vst.idx.add.s32.msk $0xffff, v2;
	v8 =	vadd.s32 v5, v9  }
0x22e: {  	s14 =	sadd.s32 s15, s14;
	v9 =	vld [tilespmem:s24+$0x0]  }
0x22f: {  	s15 =	sadd.s32 $0x80, s14  }
0x230: {  	s25 =	sor.u32 $0xC00, s15;
	[tilespmem:v10+s7+$0x0] =	vst.idx.add.s32.msk $0xffff, v2  }
0x231: {  	v7 =	vadd.s32 v1, v7;
	v10 =	vld [tilespmem:s25+$0x0]  }
0x232: {  	s26 =	sor.u32 $0xC00, s14;
	[tilespmem:v8+s7+$0x0] =	vst.idx.add.s32.msk $0xffff, v2  }
0x233: {  	v8 =	vadd.s32 v1, v9;
	v9 =	vld [tilespmem:s26+$0x0];
	_ =	sdelay $0x2  }
0x234: {  	s28 =	sor.u32 $0xC10, s13;
	[tilespmem:v7+s7+$0x0] =	vst.idx.add.s32.msk $0xffff, v2;
	v10 =	vadd.s32 v1, v10  }
0x235: {  	v7 =	vld [tilespmem:s28+$0x0]  }
0x236: {  	s29 =	sor.u32 $0xC10, s12;
	[tilespmem:v8+s7+$0x0] =	vst.idx.add.s32.msk $0xffff, v2;
	v8 =	vadd.s32 v1, v9  }
0x237: {  	v9 =	vld [tilespmem:s29+$0x0];
	_ =	sdelay $0x1  }
0x238: {  	s30 =	sor.u32 $0xC10, s15;
	[tilespmem:v10+s7+$0x0] =	vst.idx.add.s32.msk $0xffff, v2  }
0x239: {  	v7 =	vadd.s32 v3, v7;
	v10 =	vld [tilespmem:s30+$0x0]  }
0x23a: {  	s31 =	sor.u32 $0xC10, s14;
	[tilespmem:v8+s7+$0x0] =	vst.idx.add.s32.msk $0xffff, v2  }
0x23b: {  	v8 =	vadd.s32 v3, v9;
	v9 =	vld [tilespmem:s31+$0x0];
	_ =	sdelay $0x2  }
0x23c: {  	s18 =	sor.u32 $0xC20, s13;
	[tilespmem:v7+s7+$0x0] =	vst.idx.add.s32.msk $0xffff, v2;
	v10 =	vadd.s32 v3, v10  }
0x23d: {  	v7 =	vld [tilespmem:s18+$0x0]  }
0x23e: {  	s19 =	sor.u32 $0xC20, s12;
	[tilespmem:v8+s7+$0x0] =	vst.idx.add.s32.msk $0xffff, v2;
	v8 =	vadd.s32 v3, v9  }
0x23f: {  	v9 =	vld [tilespmem:s19+$0x0];
	_ =	sdelay $0x1  }
0x240: {  	s20 =	sor.u32 $0xC20, s15;
	[tilespmem:v10+s7+$0x0] =	vst.idx.add.s32.msk $0xffff, v2  }
0x241: {  	v7 =	vadd.s32 v4, v7;
	v10 =	vld [tilespmem:s20+$0x0]  }
0x242: {  	s21 =	sor.u32 $0xC20, s14;
	[tilespmem:v8+s7+$0x0] =	vst.idx.add.s32.msk $0xffff, v2  }
0x243: {  	v8 =	vadd.s32 v4, v9;
	v9 =	vld [tilespmem:s21+$0x0];
	_ =	sdelay $0x2  }
0x244: {  	s22 =	sor.u32 $0xC30, s13;
	[tilespmem:v7+s7+$0x0] =	vst.idx.add.s32.msk $0xffff, v2;
	v10 =	vadd.s32 v4, v10  }
0x245: {  	v7 =	vld [tilespmem:s22+$0x0]  }
0x246: {  	s23 =	sor.u32 $0xC30, s12;
	[tilespmem:v8+s7+$0x0] =	vst.idx.add.s32.msk $0xffff, v2;
	v8 =	vadd.s32 v4, v9  }
0x247: {  	v9 =	vld [tilespmem:s23+$0x0];
	_ =	sdelay $0x1  }
0x248: {  	s24 =	sor.u32 $0xC30, s15;
	[tilespmem:v10+s7+$0x0] =	vst.idx.add.s32.msk $0xffff, v2  }
0x249: {  	v7 =	vadd.s32 v5, v7;
	v10 =	vld [tilespmem:s24+$0x0]  }
0x24a: {  	s25 =	sor.u32 $0xC30, s14;
	[tilespmem:v8+s7+$0x0] =	vst.idx.add.s32.msk $0xffff, v2  }
0x24b: {  	v8 =	vadd.s32 v5, v9;
	v9 =	vld [tilespmem:s25+$0x0];
	_ =	sdelay $0x2  }
0x24c: {  	s26 =	sor.u32 $0xC40, s13;
	[tilespmem:v7+s7+$0x0] =	vst.idx.add.s32.msk $0xffff, v2;
	v10 =	vadd.s32 v5, v10  }
0x24d: {  	v7 =	vld [tilespmem:s26+$0x0]  }
0x24e: {  	s28 =	sor.u32 $0xC40, s12;
	[tilespmem:v8+s7+$0x0] =	vst.idx.add.s32.msk $0xffff, v2;
	v8 =	vadd.s32 v5, v9  }
0x24f: {  	v9 =	vld [tilespmem:s28+$0x0];
	_ =	sdelay $0x1  }
0x250: {  	s29 =	sor.u32 $0xC40, s15;
	[tilespmem:v10+s7+$0x0] =	vst.idx.add.s32.msk $0xffff, v2  }
0x251: {  	v7 =	vadd.s32 v1, v7;
	v10 =	vld [tilespmem:s29+$0x0]  }
0x252: {  	s30 =	sor.u32 $0xC40, s14;
	[tilespmem:v8+s7+$0x0] =	vst.idx.add.s32.msk $0xffff, v2  }
0x253: {  	v8 =	vadd.s32 v1, v9;
	v9 =	vld [tilespmem:s30+$0x0];
	_ =	sdelay $0x2  }
0x254: {  	s31 =	sor.u32 $0xC50, s13;
	[tilespmem:v7+s7+$0x0] =	vst.idx.add.s32.msk $0xffff, v2;
	v10 =	vadd.s32 v1, v10  }
0x255: {  	v7 =	vld [tilespmem:s31+$0x0]  }
0x256: {  	s18 =	sor.u32 $0xC50, s12;
	[tilespmem:v8+s7+$0x0] =	vst.idx.add.s32.msk $0xffff, v2;
	v8 =	vadd.s32 v1, v9  }
0x257: {  	v9 =	vld [tilespmem:s18+$0x0];
	_ =	sdelay $0x1  }
0x258: {  	s19 =	sor.u32 $0xC50, s15;
	[tilespmem:v10+s7+$0x0] =	vst.idx.add.s32.msk $0xffff, v2  }
0x259: {  	v7 =	vadd.s32 v3, v7;
	v10 =	vld [tilespmem:s19+$0x0]  }
0x25a: {  	s20 =	sor.u32 $0xC50, s14;
	[tilespmem:v8+s7+$0x0] =	vst.idx.add.s32.msk $0xffff, v2  }
0x25b: {  	v8 =	vadd.s32 v3, v9;
	v9 =	vld [tilespmem:s20+$0x0];
	_ =	sdelay $0x2  }
0x25c: {  	s21 =	sor.u32 $0xC60, s13;
	[tilespmem:v7+s7+$0x0] =	vst.idx.add.s32.msk $0xffff, v2;
	v10 =	vadd.s32 v3, v10  }
0x25d: {  	v7 =	vld [tilespmem:s21+$0x0]  }
0x25e: {  	[tilespmem:v8+s7+$0x0] =	vst.idx.add.s32.msk $0xffff, v2;
	v8 =	vadd.s32 v3, v9  }
0x25f: {  	s22 =	sor.u32 $0xC60, s12  }
0x260: {  	v9 =	vld [tilespmem:s22+$0x0]  }
0x261: {  	s23 =	sor.u32 $0xC60, s15;
	[tilespmem:v10+s7+$0x0] =	vst.idx.add.s32.msk $0xffff, v2  }
0x262: {  	v7 =	vadd.s32 v4, v7;
	v10 =	vld [tilespmem:s23+$0x0]  }
0x263: {  	s24 =	sor.u32 $0xC60, s14;
	[tilespmem:v8+s7+$0x0] =	vst.idx.add.s32.msk $0xffff, v2  }
0x264: {  	v8 =	vld [tilespmem:s24+$0x0]  }
0x265: {  	v9 =	vadd.s32 v4, v9  }
0x266: {  	[tilespmem:v6+s7+$0x0] =	vst.idx.add.s32.msk $0xffff, v2  }
0x267: {  	s13 =	sor.u32 $0xC70, s13;
	[tilespmem:v7+s7+$0x0] =	vst.idx.add.s32.msk $0xffff, v2;
	v6 =	vadd.s32 v4, v10  }
0x268: {  	v7 =	vld [tilespmem:s13+$0x0]  }
0x269: {  	v10 =	vld [tilespmem:s16+$0x0];
	v8 =	vadd.s32 v4, v8  }
0x26a: {  	s12 =	sor.u32 $0xC70, s12;
	[tilespmem:v9+s7+$0x0] =	vst.idx.add.s32.msk $0xffff, v2  }
0x26b: {  	v9 =	vld [tilespmem:s12+$0x0]  }
0x26c: {  	s25 =	sor.u32 $0xC70, s15;
	[tilespmem:v6+s7+$0x0] =	vst.idx.add.s32.msk $0xffff, v2  }
0x26d: {  	v6 =	vld [tilespmem:s25+$0x0]  }
0x26e: {  	s26 =	sor.u32 $0xC70, s14;
	[tilespmem:v8+s7+$0x0] =	vst.idx.add.s32.msk $0xffff, v2  }
0x26f: {  	v8 =	vld [tilespmem:s26+$0x0]  }
0x270: {  	v7 =	vadd.s32 v5, v7  }
0x271: {  	v10 =	vadd.s32 v5, v10  }
0x272: {  	v9 =	vadd.s32 v5, v9  }
0x273: {  	v6 =	vadd.s32 v5, v6  }
0x274: {  	v8 =	vadd.s32 v5, v8  }
0x275: {  	[tilespmem:v7+s7+$0x0] =	vst.idx.add.s32.msk $0xffff, v2  }
0x276: {  	[tilespmem:v10+s7+$0x0] =	vst.idx.add.s32.msk $0xffff, v2  }
0x277: {  	[tilespmem:v9+s7+$0x0] =	vst.idx.add.s32.msk $0xffff, v2  }
0x278: {  	[tilespmem:v6+s7+$0x0] =	vst.idx.add.s32.msk $0xffff, v2  }
0x279: {  	s28 =	simm.s32 $0x11820;
	[tilespmem:v8+s7+$0x0] =	vst.idx.add.s32.msk $0xffff, v2  }
0x27a: {  	s29 =	simm.s32 $0x30;
	s13 =	sand.u32 $0x1F80, s11;
	v10 =	vld [tilespmem:s28+$0xFFFFFFF0]  }
0x27b: {  	s17 =	sand.u32 $0x70, s29;
	s30 =	sadd.s32 $0x13000, s13;
	v12 =	vld [tilespmem:s28+$0x0]  }
0x27c: {  	s31 =	sadd.s32 $0x14800, s13;
	s20 =	sor.u32 s17, s30;
	v7 =	vld [tilespmem:s28+$0x10]  }
0x27d: {  	s18 =	simm.s32 $0x10;
	s19 =	sor.u32 $0x16000, s13;
	s21 =	sor.u32 s17, s31;
	v8 =	vld [tilespmem:s20+$0x0]  }
0x27e: {  	s18 =	sand.u32 $0x50, s18;
	s22 =	sor.u32 s17, s19;
	v9 =	vld [tilespmem:s21+$0x0]  }
0x27f: {  	s23 =	sor.u32 s18, s30;
	v11 =	vld [tilespmem:s22+$0x0]  }
0x280: {  	s21 =	sand.u32 $0x40, s11;
	v13 =	vld [tilespmem:s23+$0x0]  }
0x281: {  	s20 =	simm.s32 $0x20;
	v16 =	vld [tilespmem:s28+$0xFFFFFFE0];
	s24 =	sor.u32 s21, s30  }
0x282: {  	s20 =	sand.u32 $0x60, s20;
	s26 =	sor.u32 s21, s31;
	v14 =	vld [tilespmem:s24+$0x0]  }
0x283: {  	s25 =	sor.u32 s20, s30;
	v17 =	vld [tilespmem:s26+$0x0]  }
0x284: {  	p0 =	por $0x1, $0x1;
	s28 =	sor.u32 s18, s31;
	v15 =	vld [tilespmem:s25+$0x0]  }
.Ltmp2:
0x285: {  	v6 =	vld [tilespmem:s28+$0x0];
	s14 =	sor.u32 s20, s31;
	(pc) =	sbr.rel @!p0 .LBB2_7-.Ltmp2, $4  }
0x286: {  	s13 =	sor.u32 $0x10000, s13;
	s29 =	sor.u32 s21, s19;
	v8 =	vadd.s32 v7, v8;
	v7 =	vld [tilespmem:s14+$0x0]  }
0x287: {  	s12 =	simm.s32 $0x40;
	s11 =	simm.s32 $0x0;
	s30 =	sor.u32 s18, s19;
	v9 =	vadd.s32 v9, v8;
	v8 =	vld [tilespmem:s29+$0x0]  }
0x288: {  	s16 =	sor.u32 s21, s13;
	s19 =	sor.u32 s20, s19;
	s31 =	sor.u32 s17, s13;
	v18 =	vadd.s32 v11, v9;
	v14 =	vadd.s32 v16, v14;
	v9 =	vld [tilespmem:s30+$0x0]  }
0x289: {  	s15 =	sor.u32 s20, s13;
	s14 =	sor.u32 s18, s13;
	s13 =	simm.s32 $0x11860;
	v11 =	vadd.s32 v10, v13;
	v10 =	vld [tilespmem:s19+$0x0];
	[tilespmem:s31+$0x0] =	vst v18;
	v12 =	vadd.s32 v12, v15;
	v13 =	vadd.s32 v17, v14  }
.LBB2_6:
0x28a: {  	s17 =	sand.u32 $0x1F80, s12;
	v14 =	vld [tilespmem:s13+$0xFFFFFFF0];
	s18 =	sadd.s32 $0x30, s12;
	s11 =	sadd.s32 $0x4, s11;
	v6 =	vadd.s32 v6, v11  }
0x28b: {  	s19 =	sadd.s32 $0x13000, s17;
	v15 =	vld [tilespmem:s13+$0x0];
	s18 =	sand.u32 $0x70, s18;
	p0 =	slt.u32 s11, $0x17C;
	v7 =	vadd.s32 v7, v12  }
0x28c: {  	s21 =	sadd.s32 $0x10, s12;
	s20 =	sadd.s32 $0x14800, s17;
	v11 =	vld [tilespmem:s13+$0x10];
	s22 =	sor.u32 s18, s19;
	v8 =	vadd.s32 v8, v13  }
0x28d: {  	s24 =	sadd.s32 $0x20, s12;
	s23 =	sor.u32 $0x16000, s17;
	v12 =	vld [tilespmem:s22+$0x0];
	s22 =	sor.u32 s18, s20;
	[tilespmem:s16+$0x0] =	vst v8;
	v6 =	vadd.s32 v9, v6  }
0x28e: {  	s21 =	sand.u32 $0x50, s21;
	s24 =	sand.u32 $0x60, s24;
	s16 =	sor.u32 s18, s23;
	v8 =	vld [tilespmem:s22+$0x0];
	[tilespmem:s14+$0x0] =	vst v6;
	v6 =	vadd.s32 v10, v7  }
0x28f: {  	s25 =	sor.u32 s24, s19;
	s14 =	sand.u32 $0x40, s12;
	s22 =	sor.u32 s21, s19;
	v7 =	vld [tilespmem:s16+$0x0];
	[tilespmem:s15+$0x0] =	vst v6  }
0x290: {  	s15 =	sor.u32 s14, s19;
	s16 =	sor.u32 s14, s20;
	s19 =	sor.u32 s21, s20;
	v9 =	vld [tilespmem:s22+$0x0]  }
0x291: {  	s26 =	sor.u32 s21, s23;
	s20 =	sor.u32 s24, s20;
	s22 =	sor.u32 s14, s23;
	v10 =	vld [tilespmem:s15+$0x0]  }
0x292: {  	s23 =	sor.u32 s24, s23;
	v13 =	vld [tilespmem:s25+$0x0];
	v6 =	vadd.s32 v11, v12  }
0x293: {  	s15 =	sor.u32 $0x10000, s17;
	v16 =	vld [tilespmem:s13+$0xFFFFFFE0];
	v6 =	vadd.s32 v8, v6  }
0x294: {  	s17 =	sor.u32 s18, s15;
	v17 =	vld [tilespmem:s16+$0x0];
	s16 =	sor.u32 s14, s15;
	s14 =	sor.u32 s21, s15;
	v7 =	vadd.s32 v7, v6  }
.Ltmp3:
0x295: {  	s15 =	sor.u32 s24, s15;
	v6 =	vld [tilespmem:s19+$0x0];
	v11 =	vadd.s32 v14, v9;
	[tilespmem:s17+$0x0] =	vst v7;
	(pc) =	sbr.rel @p0 .LBB2_6-.Ltmp3, $4  }
0x296: {  	v7 =	vld [tilespmem:s20+$0x0]  }
0x297: {  	v8 =	vld [tilespmem:s22+$0x0];
	v12 =	vadd.s32 v15, v13  }
0x298: {  	v10 =	vadd.s32 v16, v10;
	v9 =	vld [tilespmem:s26+$0x0]  }
0x299: {  	s12 =	sadd.s32 $0x40, s12;
	s13 =	sadd.s32 $0x40, s13;
	v13 =	vadd.s32 v17, v10;
	v10 =	vld [tilespmem:s23+$0x0]  }
.LBB2_7:
0x29a: {  	_ =	sdelay $0x1  }
0x29b: {  	v6 =	vadd.s32 v6, v11;
	v8 =	vadd.s32 v8, v13  }
0x29c: {  	s10 =	sadd.s32 $0x1, s10;
	v7 =	vadd.s32 v7, v12;
	[tilespmem:s16+$0x0] =	vst v8;
	v6 =	vadd.s32 v9, v6  }
0x29d: {  	p0 =	sne.s32 s10, s5;
	[tilespmem:s14+$0x0] =	vst v6;
	v6 =	vadd.s32 v10, v7  }
.Ltmp4:
0x29e: {  	[tilespmem:s15+$0x0] =	vst v6;
	(pc) =	sbr.rel @p0 .LBB2_1-.Ltmp4, $4  }
0x29f: {  	[hbm4b:s4+s2] =	stream.linear.scatter [tilespmem:s8], [sflag:$0x2], $0x1800, $0x38;
	[tilespmem:$0x17800] =	vst v63  }
0x2a0: {  	_ =	swait.ge [sflag:s9], $0x1800  }
0x2a1: {  	[sflag:s9] =	ssyncset.done $0x0  }
0x2a2: {  	[sflag:s9] =	ssyncadd.s32 $0xFFFFE800  }
0x2a3: {  	_ =	sfence.sel $0x180000  }
0x2a4: {  	[bflag:$0x0] =	sbarrier.arrive $0xFFFF  }
0x2a5: {  	p0 =	sne.s32 s1, $0x0;
	_ =	strace $0x90000047  }
0x2a6: {  	s0 =	sadd.s32 @!p0 $0x100000, s0;
	[bflag:$0x2] =	sbarrier.arrive $0xFFFF  }
0x2a7: {  	[sflag:s0] =	ssyncadd.tile.s32 @!p0 $0x1;
	_ =	shalt  }
.Lfunc_end2:
_tile_overlayer_lowered:
.L_overlay_start_2:
0x2a8: {  	(tag) =	ssettag $0x2  }
0x2a9: {  	s0 =	rddreg [dreg:$0x0];
	s2 =	stileid.u32  }
0x2aa: {  	s1 =	rddreg [dreg:$0x1];
	p0 =	sne.s32 s2, $0x0  }
0x2ab: {  	s3 =	rddreg [dreg:$0x2];
	[bflag:$0x3] =	sbarrier.arrive $0xFFFF;
	s2 =	simm.s32 @!p0 $0x1C02  }
0x2ac: {  	[timem:s3], [sflag:s2] =	dma.local @!p0 [hbm:s0], s1  }
0x2ad: {  	s0 =	simm.s32 @!p0 $0x2  }
0x2ae: {  	_ =	swait.ge @!p0 [sflag:s0], s1  }
0x2af: {  	s1 =	ssub.s32 @!p0 $0x0, s1;
	[sflag:s0] =	ssyncset.done @!p0 $0x0  }
0x2b0: {  	[sflag:s0] =	ssyncadd.s32 @!p0 s1  }
0x2b1: {  	[bflag:$0x3] =	sbarrier.arrive $0xFFFF  }
0x2b2: {  	_ =	shalt  }

</sc_bundles>
